<compile_context>
chip_gen: v7x
topology: tpu7x:2x2x1
jax: 0.10.2.dev20260603
libtpu: 0.0.44.dev20260713+nightly
codegen_flags: <defaults>
</compile_context>

<pallas_src>
import functools

import jax
import jax.numpy as jnp
from jax import lax
from jax.experimental import pallas as pl
from jax.experimental.pallas import tpu as pltpu
from jax.experimental.pallas import tpu_sc as plsc

NC = 2
NS = 16



def _make_support_body(R):
    def _support_body(h_ref, w_ref, b_ref, out_ref):
        hb = h_ref[...]
        for r in range(R):
            out_ref[r] = (
                jnp.dot(hb, w_ref[r], preferred_element_type=jnp.float32)
                + b_ref[r, 0][None, :]
            )
    return _support_body


def _tc_support(h, Wr, br3):
    N, H = h.shape
    R = Wr.shape[0]
    BM = 2000
    grid = (N // BM,)
    return pl.pallas_call(
        _make_support_body(R),
        grid=grid,
        in_specs=[
            pl.BlockSpec((BM, H), lambda i: (i, 0)),
            pl.BlockSpec((R, H, H), lambda i: (0, 0, 0)),
            pl.BlockSpec((R, 1, H), lambda i: (0, 0, 0)),
        ],
        out_specs=pl.BlockSpec((R, BM, H), lambda i: (0, i, 0)),
        out_shape=jax.ShapeDtypeStruct((R, N, H), jnp.float32),
    )(h, Wr, br3)



def _make_prep_body(N_nodes, R, rows_rel, rows_rel_pad, C, n_dummy):
    astart = (rows_rel // 8) * 8
    ptail = rows_rel_pad - astart

    def _prep_body(ei_ref, src_ref, dst_ref):
        r = pl.program_id(0)
        if ptail > 0:
            row_i = jax.lax.broadcasted_iota(jnp.int32, (ptail, C), 0)
            lane_i = jax.lax.broadcasted_iota(jnp.int32, (ptail, C), 1)
            flat = row_i * C + lane_i
            src_ref[astart:rows_rel_pad] = flat % (R * N_nodes)
            dst_ref[astart:rows_rel_pad] = N_nodes + flat % n_dummy
        src_ref[0:rows_rel] = (
            ei_ref[0, 0].reshape(rows_rel, C) + r * N_nodes)
        dst_ref[0:rows_rel] = ei_ref[0, 1].reshape(rows_rel, C)

    return _prep_body


def _tc_prep(edge_index, *, N_nodes, R, rows_rel, rows_rel_pad, C, n_dummy):
    E = rows_rel * C
    out_rows = R * rows_rel_pad
    return pl.pallas_call(
        _make_prep_body(N_nodes, R, rows_rel, rows_rel_pad, C, n_dummy),
        grid=(R,),
        in_specs=[pl.BlockSpec((1, 2, E), lambda r: (r, 0, 0))],
        out_specs=[
            pl.BlockSpec((rows_rel_pad, C), lambda r: (r, 0)),
            pl.BlockSpec((rows_rel_pad, C), lambda r: (r, 0)),
        ],
        out_shape=[
            jax.ShapeDtypeStruct((out_rows, C), jnp.int32),
            jax.ShapeDtypeStruct((out_rows, C), jnp.int32),
        ],
    )(edge_index)



def _sc_aggregate(sup_flat, src2d, dst2d, zrows, *, N_pad, H, n_chunks, C):
    mesh = plsc.VectorSubcoreMesh(core_axis_name="c", subcore_axis_name="s",
                                  num_cores=NC, num_subcores=NS)
    stripe = N_pad // NS

    KS = 24
    n_super = n_chunks // KS
    assert n_chunks % KS == 0 and n_super % 2 == 0 and KS % 2 == 0

    @functools.partial(
        pl.kernel,
        out_type=jax.ShapeDtypeStruct((NC, N_pad, H), jnp.float32),
        mesh=mesh,
        scratch_types=[
            pltpu.VMEM((KS, C), jnp.int32),
            pltpu.VMEM((KS, C), jnp.int32),
            pltpu.VMEM((KS, C), jnp.int32),
            pltpu.VMEM((KS, C), jnp.int32),
            pltpu.VMEM((C, H), jnp.float32),
            pltpu.VMEM((C, H), jnp.float32),
            pltpu.VMEM_SHARED((N_pad, H), jnp.float32),
            pltpu.SemaphoreType.DMA,
            pltpu.SemaphoreType.DMA,
            pltpu.SemaphoreType.DMA,
            pltpu.SemaphoreType.DMA,
        ],
    )
    def agg_kernel(sup_hbm, src_hbm, dst_hbm, z_hbm, out_hbm,
                   srcA, dstA, srcB, dstB, rowsA, rowsB, agg_sh,
                   isemA, isemB, gsA, gsB):
        cid = lax.axis_index("c")
        sid = lax.axis_index("s")
        wid = cid * NS + sid
        base = wid * n_chunks

        def drain_idx(dst_ref, sem):
            pltpu.make_async_copy(src_hbm.at[pl.ds(0, KS)], dst_ref, sem).wait()

        def drain_rows(rows_ref, sem):
            pltpu.make_async_copy(sup_hbm.at[srcA.at[0]], rows_ref, sem).wait()

        def super_body(src_v, dst_v, nxt_src, nxt_sem, cross):
            @pl.loop(0, KS // 2 - 1)
            def _(t):
                j = 2 * t
                pltpu.async_copy(sup_hbm.at[src_v.at[j + 1]], rowsB, gsB)
                drain_rows(rowsA, gsA)
                pltpu.sync_copy(rowsA, agg_sh.at[dst_v.at[j]], add=True)
                pltpu.async_copy(sup_hbm.at[src_v.at[j + 2]], rowsA, gsA)
                drain_rows(rowsB, gsB)
                pltpu.sync_copy(rowsB, agg_sh.at[dst_v.at[j + 1]], add=True)

            pltpu.async_copy(sup_hbm.at[src_v.at[KS - 1]], rowsB, gsB)
            drain_rows(rowsA, gsA)
            pltpu.sync_copy(rowsA, agg_sh.at[dst_v.at[KS - 2]], add=True)

            @pl.when(cross)
            def _():
                drain_idx(nxt_src, nxt_sem)
                drain_idx(nxt_src, nxt_sem)
                pltpu.async_copy(sup_hbm.at[nxt_src.at[0]], rowsA, gsA)

            drain_rows(rowsB, gsB)
            pltpu.sync_copy(rowsB, agg_sh.at[dst_v.at[KS - 1]], add=True)

        pltpu.sync_copy(z_hbm.at[pl.ds(sid * stripe, stripe)],
                        agg_sh.at[pl.ds(sid * stripe, stripe)])
        pltpu.async_copy(src_hbm.at[pl.ds(base, KS)], srcA, isemA)
        pltpu.async_copy(dst_hbm.at[pl.ds(base, KS)], dstA, isemA)
        pltpu.async_copy(src_hbm.at[pl.ds(base + KS, KS)], srcB, isemB)
        pltpu.async_copy(dst_hbm.at[pl.ds(base + KS, KS)], dstB, isemB)
        plsc.subcore_barrier()
        drain_idx(srcA, isemA)
        drain_idx(dstA, isemA)
        pltpu.async_copy(sup_hbm.at[srcA.at[0]], rowsA, gsA)

        true_ = jnp.bool_(True)

        @pl.loop(0, n_super // 2)
        def _(ss):
            s0 = 2 * ss
            not_last = ss < n_super // 2 - 1
            super_body(srcA, dstA, srcB, isemB, true_)

            @pl.when(not_last)
            def _():
                pltpu.async_copy(src_hbm.at[pl.ds(base + (s0 + 2) * KS, KS)],
                                 srcA, isemA)
                pltpu.async_copy(dst_hbm.at[pl.ds(base + (s0 + 2) * KS, KS)],
                                 dstA, isemA)

            super_body(srcB, dstB, srcA, isemA, not_last)

            @pl.when(not_last)
            def _():
                pltpu.async_copy(src_hbm.at[pl.ds(base + (s0 + 3) * KS, KS)],
                                 srcB, isemB)
                pltpu.async_copy(dst_hbm.at[pl.ds(base + (s0 + 3) * KS, KS)],
                                 dstB, isemB)

        plsc.subcore_barrier()
        pltpu.sync_copy(agg_sh.at[pl.ds(sid * stripe, stripe)],
                        out_hbm.at[cid, pl.ds(sid * stripe, stripe)])

    return agg_kernel(sup_flat, src2d, dst2d, zrows)



def _gates0_body(x_ref, h_ref, ht_ref, wh_ref, wt_ref, u_ref,
                 g_ref, v_ref, bv_ref, g0_ref):
    gv = jnp.dot(g_ref[...], v_ref[...], preferred_element_type=jnp.float32)
    g0_ref[...] = (
        jnp.dot(h_ref[...], wh_ref[...], preferred_element_type=jnp.float32)
        + jnp.dot(x_ref[...], u_ref[...], preferred_element_type=jnp.float32)
        + jnp.dot(ht_ref[...], wt_ref[...], preferred_element_type=jnp.float32)
        + gv + bv_ref[...]
    ).astype(jnp.bfloat16)


def _tc_gates0(x, h, h_t, Wh, Wt, U, g2, V, bV2):
    N, H = x.shape
    BM = 2000
    row_spec = pl.BlockSpec((BM, H), lambda i: (i, 0))
    w_spec = pl.BlockSpec((H, 5 * H), lambda i: (0, 0))
    return pl.pallas_call(
        _gates0_body,
        grid=(N // BM,),
        in_specs=[
            row_spec, row_spec, row_spec,
            w_spec, w_spec, w_spec,
            pl.BlockSpec((1, H), lambda i: (0, 0)),
            w_spec,
            pl.BlockSpec((1, 5 * H), lambda i: (0, 0)),
        ],
        out_specs=pl.BlockSpec((BM, 5 * H), lambda i: (i, 0)),
        out_shape=jax.ShapeDtypeStruct((N, 5 * H), jnp.bfloat16),
    )(x, h, h_t, Wh, Wt, U, g2, V, bV2)


def _gates_body(agg_ref, g0_ref, c_ref, ht_ref, wn_ref, oh_ref, oc_ref):
    H = c_ref.shape[1]
    hn = jnp.tanh(agg_ref[0] + agg_ref[1])
    gates = (g0_ref[...].astype(jnp.float32)
             + jnp.dot(hn, wn_ref[...], preferred_element_type=jnp.float32))
    i_g = gates[:, 0 * H:1 * H]
    f_g = gates[:, 1 * H:2 * H]
    o_g = gates[:, 2 * H:3 * H]
    u_g = gates[:, 3 * H:4 * H]
    t_g = gates[:, 4 * H:5 * H]
    new_c = (jax.nn.sigmoid(f_g) * c_ref[...]
             + jax.nn.sigmoid(i_g) * jnp.tanh(u_g)
             + jax.nn.sigmoid(t_g) * ht_ref[...])
    oc_ref[...] = new_c
    oh_ref[...] = jax.nn.sigmoid(o_g) * jnp.tanh(new_c)


def _tc_gates(agg2, g0, c, h_t, Wn):
    N, H = c.shape
    BM = 2000
    grid = (N // BM,)
    row_spec = pl.BlockSpec((BM, H), lambda i: (i, 0))
    return pl.pallas_call(
        _gates_body,
        grid=grid,
        in_specs=[
            pl.BlockSpec((NC, BM, H), lambda i: (0, i, 0)),
            pl.BlockSpec((BM, 5 * H), lambda i: (i, 0)),
            row_spec, row_spec,
            pl.BlockSpec((H, 5 * H), lambda i: (0, 0)),
        ],
        out_specs=[row_spec, row_spec],
        out_shape=[
            jax.ShapeDtypeStruct((N, H), jnp.float32),
            jax.ShapeDtypeStruct((N, H), jnp.float32),
        ],
    )(agg2, g0, c, h_t, Wn)



def kernel(x, h, c, g, h_t, edge_index, Wr, br, Wh, Wn, Wt, U, V, bV):
    N, H = h.shape
    R = Wr.shape[0]
    E = edge_index.shape[2]
    EE = R * E
    NT = NC * NS

    C = 128
    n_chunks = -(-EE // (NT * C * 8)) * 8
    EEp = NT * C * n_chunks
    pad = EEp - EE
    N_pad = -(-(N + (8 if pad else 0)) // (8 * NS)) * (8 * NS)
    n_dummy = N_pad - N

    support = _tc_support(h, Wr, br.reshape(R, 1, H))
    sup_flat = support.reshape(R * N, H)

    rows_rel = E // C
    rows_rel_pad = EEp // C // R
    assert E % C == 0 and EEp // C % R == 0
    src2d, dst2d = _tc_prep(edge_index, N_nodes=N, R=R, rows_rel=rows_rel,
                            rows_rel_pad=rows_rel_pad, C=C,
                            n_dummy=max(n_dummy, 1))
    zrows = jnp.zeros((N_pad, H), jnp.float32)

    agg2 = _sc_aggregate(sup_flat, src2d, dst2d, zrows,
                         N_pad=N_pad, H=H, n_chunks=n_chunks, C=C)

    g0 = _tc_gates0(x, h, h_t, Wh, Wt, U,
                    g.reshape(1, H), V, bV.reshape(1, 5 * H))

    return _tc_gates(agg2, g0, c, h_t, Wn)

# --- scband reference (transcript-rebuilt; emitter-appended) ---
"""Pipeline reference for scband-cgm-8435315769498 (READ-ONLY COPY).

The authoritative reference and input builder live on the scoring server;
editing this copy changes nothing except your own understanding.
"""

import jax, jax.numpy as jnp
import numpy as np

N = 10000
E = 320000
H = 128
R = 3

def setup_inputs(seed: int = 0) -> dict:
    key = jax.random.key(seed)
    ks = jax.random.split(key, 16)
    inp = {}
    inp["x"] = jax.random.normal(ks[0], (N, H), dtype=jnp.float32)
    inp["h"] = jax.random.normal(ks[1], (N, H), dtype=jnp.float32)
    inp["c"] = jax.random.normal(ks[2], (N, H), dtype=jnp.float32)
    inp["g"] = jax.random.normal(ks[3], (H,), dtype=jnp.float32)
    inp["h_t"] = jax.random.normal(ks[4], (N, H), dtype=jnp.float32)
    # edge_index[r, 0, :] = src nodes, edge_index[r, 1, :] = dst nodes for relation r
    inp["edge_index"] = jax.random.randint(ks[5], (R, 2, E), 0, N)
    # RGCN per-relation linear layers (in_features=H, out_features=H)
    inp["Wr"] = jax.random.normal(ks[6], (R, H, H), dtype=jnp.float32) * 0.05
    inp["br"] = jnp.zeros((R, H), dtype=jnp.float32)
    # SLSTMCell gate projections (each maps H -> 5H)
    inp["Wh"] = jax.random.normal(ks[7], (H, 5 * H), dtype=jnp.float32) * 0.05
    inp["Wn"] = jax.random.normal(ks[8], (H, 5 * H), dtype=jnp.float32) * 0.05
    inp["Wt"] = jax.random.normal(ks[9], (H, 5 * H), dtype=jnp.float32) * 0.05
    inp["U"] = jax.random.normal(ks[10], (H, 5 * H), dtype=jnp.float32) * 0.05
    inp["V"] = jax.random.normal(ks[11], (H, 5 * H), dtype=jnp.float32) * 0.05
    inp["bV"] = jnp.zeros((5 * H,), dtype=jnp.float32)
    return inp

def reference(x, h, c, g, h_t, edge_index, Wr, br, Wh, Wn, Wt, U, V, bV):
    # RGCN: per-relation linear transform + sparse adjacency matmul (as gather + scatter-add)
    relation_num = Wr.shape[0]
    transform = []
    for r in range(relation_num):
        support = h @ Wr[r] + br[r]
        src = edge_index[r, 0]
        dst = edge_index[r, 1]
        msg = jnp.take(support, src, axis=0)
        agg = jnp.zeros_like(support).at[dst].add(msg)
        transform.append(agg)
    hn = jnp.tanh(jnp.sum(jnp.stack(transform, axis=1), axis=1))
    # SLSTMCell gates (dropout rate 0 -> identity)
    gates = h @ Wh + x @ U + hn @ Wn + h_t @ Wt + (g @ V + bV)[None, :]
    i, f, o, u, t = jnp.split(gates, 5, axis=-1)
    new_c = jax.nn.sigmoid(f) * c + jax.nn.sigmoid(i) * jnp.tanh(u) + jax.nn.sigmoid(t) * h_t
    new_h = jax.nn.sigmoid(o) * jnp.tanh(new_c)
    return (new_h, new_c)

if __name__ == "__main__":
    import jax
    _d = setup_inputs()
    print(jax.jit(kernel)(*tuple(_d.values())))

</pallas_src>

<mosaic_0001>
#map = affine_map<(d0, d1) -> (0, 0)>
#map1 = affine_map<(d0, d1) -> (0, 0, 0)>
module attributes {stable_mosaic.version = 14 : i64} {
  func.func @agg_kernel(%arg0: i32, %arg1: i32, %arg2: memref<30000x128xf32, #tpu.memory_space<hbm>>, %arg3: memref<7680x128xi32, #tpu.memory_space<hbm>>, %arg4: memref<7680x128xi32, #tpu.memory_space<hbm>>, %arg5: memref<10112x128xf32, #tpu.memory_space<hbm>>, %arg6: memref<2x10112x128xf32, #tpu.memory_space<hbm>>, %arg7: memref<24x128xi32, #tpu.memory_space<vmem>>, %arg8: memref<24x128xi32, #tpu.memory_space<vmem>>, %arg9: memref<24x128xi32, #tpu.memory_space<vmem>>, %arg10: memref<24x128xi32, #tpu.memory_space<vmem>>, %arg11: memref<128x128xf32, #tpu.memory_space<vmem>>, %arg12: memref<128x128xf32, #tpu.memory_space<vmem>>, %arg13: memref<10112x128xf32, #tpu.memory_space<vmem_shared>>, %arg14: memref<!tpu.dma_semaphore, #tpu.memory_space<semaphore_mem>>, %arg15: memref<!tpu.dma_semaphore, #tpu.memory_space<semaphore_mem>>, %arg16: memref<!tpu.dma_semaphore, #tpu.memory_space<semaphore_mem>>, %arg17: memref<!tpu.dma_semaphore, #tpu.memory_space<semaphore_mem>>) attributes {dimension_semantics = [#tpu.dimension_semantics<core_parallel>, #tpu.dimension_semantics<subcore_parallel>], iteration_bounds = array<i64: 2, 16>, scalar_prefetch = 0 : i64, scratch_operands = 11 : i64, tpu.core_type = #tpu.core_type<sc_vector_subcore>, window_params = [{transform_indices = #map}, {transform_indices = #map}, {transform_indices = #map}, {transform_indices = #map}, {transform_indices = #map1}]} {
    %mul3A = arith.constant 16 : i32
    %mul3A_0 = arith.muli %arg0, %mul3A : i32
    %add3A = arith.addi %mul3A_0, %arg1 : i32
    %mul3A_1 = arith.constant 240 : i32
    %mul3A_2 = arith.muli %add3A, %mul3A_1 : i32
    %mul3A_3 = arith.constant 632 : i32
    %mul3A_4 = arith.muli %arg1, %mul3A_3 : i32
    %mul3A_5 = arith.constant 632 : i32
    %mul3A_6 = arith.muli %arg1, %mul3A_5 : i32
    "tpu.region"() ({
      %run_scoped3A = tpu.sem_alloc : memref<!tpu.dma_semaphore, #tpu.memory_space<semaphore_mem>>
      %dma_start3A_54 = arith.constant 0 : i32
      %dma_start3A_55 = tpu.memref_slice %arg13[%mul3A_6, %dma_start3A_54] : memref<10112x128xf32, #tpu.memory_space<vmem_shared>> -> memref<632x128xf32, #tpu.memory_space<vmem_shared>>
      %dma_start3A_56 = arith.constant 0 : i32
      %dma_start3A_57 = tpu.memref_slice %arg5[%mul3A_4, %dma_start3A_56] : memref<10112x128xf32, #tpu.memory_space<hbm>> -> memref<632x128xf32, #tpu.memory_space<hbm>>
      tpu.enqueue_dma source(%dma_start3A_57 : memref<632x128xf32, #tpu.memory_space<hbm>>) target(%dma_start3A_55 : memref<632x128xf32, #tpu.memory_space<vmem_shared>>) target_semaphore(%run_scoped3A : memref<!tpu.dma_semaphore, #tpu.memory_space<semaphore_mem>>)
      %dma_wait3A_58 = arith.constant 0 : i32
      %dma_wait3A_59 = tpu.memref_slice %arg13[%mul3A_6, %dma_wait3A_58] : memref<10112x128xf32, #tpu.memory_space<vmem_shared>> -> memref<632x128xf32, #tpu.memory_space<vmem_shared>>
      %dma_wait3A_60 = arith.constant 0 : i32
      %dma_wait3A_61 = tpu.memref_slice %arg5[%mul3A_4, %dma_wait3A_60] : memref<10112x128xf32, #tpu.memory_space<hbm>> -> memref<632x128xf32, #tpu.memory_space<hbm>>
      tpu.wait_dma2 semaphore(%run_scoped3A : memref<!tpu.dma_semaphore, #tpu.memory_space<semaphore_mem>>) src(%dma_wait3A_61 : memref<632x128xf32, #tpu.memory_space<hbm>>) dst(%dma_wait3A_59 : memref<632x128xf32, #tpu.memory_space<vmem_shared>>)
      tpu.yield
    }) : () -> ()
    %dma_start3A = arith.constant 0 : i32
    %dma_start3A_7 = tpu.memref_slice %arg3[%mul3A_2, %dma_start3A] : memref<7680x128xi32, #tpu.memory_space<hbm>> -> memref<24x128xi32, #tpu.memory_space<hbm>>
    %dma_start3A_8 = arith.constant 0 : i32
    %dma_start3A_9 = tpu.memref_slice %arg3[%mul3A_2, %dma_start3A_8] : memref<7680x128xi32, #tpu.memory_space<hbm>> -> memref<24x128xi32, #tpu.memory_space<hbm>>
    tpu.enqueue_dma source(%dma_start3A_9 : memref<24x128xi32, #tpu.memory_space<hbm>>) target(%arg7 : memref<24x128xi32, #tpu.memory_space<vmem>>) target_semaphore(%arg14 : memref<!tpu.dma_semaphore, #tpu.memory_space<semaphore_mem>>)
    %dma_start3A_10 = arith.constant 0 : i32
    %dma_start3A_11 = tpu.memref_slice %arg4[%mul3A_2, %dma_start3A_10] : memref<7680x128xi32, #tpu.memory_space<hbm>> -> memref<24x128xi32, #tpu.memory_space<hbm>>
    %dma_start3A_12 = arith.constant 0 : i32
    %dma_start3A_13 = tpu.memref_slice %arg4[%mul3A_2, %dma_start3A_12] : memref<7680x128xi32, #tpu.memory_space<hbm>> -> memref<24x128xi32, #tpu.memory_space<hbm>>
    tpu.enqueue_dma source(%dma_start3A_13 : memref<24x128xi32, #tpu.memory_space<hbm>>) target(%arg8 : memref<24x128xi32, #tpu.memory_space<vmem>>) target_semaphore(%arg14 : memref<!tpu.dma_semaphore, #tpu.memory_space<semaphore_mem>>)
    %add3A_14 = arith.constant 24 : i32
    %add3A_15 = arith.addi %mul3A_2, %add3A_14 : i32
    %dma_start3A_16 = arith.constant 0 : i32
    %dma_start3A_17 = tpu.memref_slice %arg3[%add3A_15, %dma_start3A_16] : memref<7680x128xi32, #tpu.memory_space<hbm>> -> memref<24x128xi32, #tpu.memory_space<hbm>>
    %dma_start3A_18 = arith.constant 0 : i32
    %dma_start3A_19 = tpu.memref_slice %arg3[%add3A_15, %dma_start3A_18] : memref<7680x128xi32, #tpu.memory_space<hbm>> -> memref<24x128xi32, #tpu.memory_space<hbm>>
    tpu.enqueue_dma source(%dma_start3A_19 : memref<24x128xi32, #tpu.memory_space<hbm>>) target(%arg9 : memref<24x128xi32, #tpu.memory_space<vmem>>) target_semaphore(%arg15 : memref<!tpu.dma_semaphore, #tpu.memory_space<semaphore_mem>>)
    %add3A_20 = arith.constant 24 : i32
    %add3A_21 = arith.addi %mul3A_2, %add3A_20 : i32
    %dma_start3A_22 = arith.constant 0 : i32
    %dma_start3A_23 = tpu.memref_slice %arg4[%add3A_21, %dma_start3A_22] : memref<7680x128xi32, #tpu.memory_space<hbm>> -> memref<24x128xi32, #tpu.memory_space<hbm>>
    %dma_start3A_24 = arith.constant 0 : i32
    %dma_start3A_25 = tpu.memref_slice %arg4[%add3A_21, %dma_start3A_24] : memref<7680x128xi32, #tpu.memory_space<hbm>> -> memref<24x128xi32, #tpu.memory_space<hbm>>
    tpu.enqueue_dma source(%dma_start3A_25 : memref<24x128xi32, #tpu.memory_space<hbm>>) target(%arg10 : memref<24x128xi32, #tpu.memory_space<vmem>>) target_semaphore(%arg15 : memref<!tpu.dma_semaphore, #tpu.memory_space<semaphore_mem>>)
    %barrier3A = arith.constant 0 : index
    tpu.barrier barrier_id(%barrier3A)
    %dma_wait3A = arith.constant 0 : i32
    %dma_wait3A_26 = arith.constant 0 : i32
    %dma_wait3A_27 = tpu.memref_slice %arg3[%dma_wait3A, %dma_wait3A_26] : memref<7680x128xi32, #tpu.memory_space<hbm>> -> memref<24x128xi32, #tpu.memory_space<hbm>>
    %dma_wait3A_28 = arith.constant 0 : i32
    %dma_wait3A_29 = arith.constant 0 : i32
    %dma_wait3A_30 = tpu.memref_slice %arg3[%dma_wait3A_28, %dma_wait3A_29] : memref<7680x128xi32, #tpu.memory_space<hbm>> -> memref<24x128xi32, #tpu.memory_space<hbm>>
    tpu.wait_dma2 semaphore(%arg14 : memref<!tpu.dma_semaphore, #tpu.memory_space<semaphore_mem>>) src(%dma_wait3A_30 : memref<24x128xi32, #tpu.memory_space<hbm>>) dst(%arg7 : memref<24x128xi32, #tpu.memory_space<vmem>>)
    %dma_wait3A_31 = arith.constant 0 : i32
    %dma_wait3A_32 = arith.constant 0 : i32
    %dma_wait3A_33 = tpu.memref_slice %arg3[%dma_wait3A_31, %dma_wait3A_32] : memref<7680x128xi32, #tpu.memory_space<hbm>> -> memref<24x128xi32, #tpu.memory_space<hbm>>
    %dma_wait3A_34 = arith.constant 0 : i32
    %dma_wait3A_35 = arith.constant 0 : i32
    %dma_wait3A_36 = tpu.memref_slice %arg3[%dma_wait3A_34, %dma_wait3A_35] : memref<7680x128xi32, #tpu.memory_space<hbm>> -> memref<24x128xi32, #tpu.memory_space<hbm>>
    tpu.wait_dma2 semaphore(%arg14 : memref<!tpu.dma_semaphore, #tpu.memory_space<semaphore_mem>>) src(%dma_wait3A_36 : memref<24x128xi32, #tpu.memory_space<hbm>>) dst(%arg8 : memref<24x128xi32, #tpu.memory_space<vmem>>)
    %dma_start3A_37 = arith.constant 0 : i32
    %dma_start3A_38 = arith.constant 0 : i32
    %dma_start3A_39 = tpu.memref_slice %arg7[%dma_start3A_37, %dma_start3A_38] : memref<24x128xi32, #tpu.memory_space<vmem>> -> memref<1x128xi32, #tpu.memory_space<vmem>>
    %dma_start3A_40 = tpu.memref_squeeze %dma_start3A_39 : memref<1x128xi32, #tpu.memory_space<vmem>> -> memref<128xi32, #tpu.memory_space<vmem>>
    %dma_start3A_41 = arith.constant 0 : i32
    %dma_start3A_42 = arith.constant 0 : i32
    %dma_start3A_43 = tpu.memref_slice %arg2[%dma_start3A_41, %dma_start3A_42] : memref<30000x128xf32, #tpu.memory_space<hbm>> -> memref<30000x128xf32, #tpu.memory_space<hbm>>
    tpu.enqueue_indirect_dma source(%dma_start3A_43 : memref<30000x128xf32, #tpu.memory_space<hbm>>) target(%arg11 : memref<128x128xf32, #tpu.memory_space<vmem>>) offsets(%dma_start3A_40 : memref<128xi32, #tpu.memory_space<vmem>>) semaphore(%arg16 : memref<!tpu.dma_semaphore, #tpu.memory_space<semaphore_mem>>)
    %scan3A = arith.constant true
    %scan3A_44 = arith.constant 0 : i32
    %scan3A_45 = arith.constant 5 : i32
    %scan3A_46 = arith.addi %scan3A_44, %scan3A_45 : i32
    %scan3A_47 = arith.constant 1 : i32
    scf.for %scan3A_54 = %scan3A_44 to %scan3A_46 step %scan3A_47  : i32 {
      %mul3A_55 = arith.constant 1 : i32
      %mul3A_56 = arith.muli %scan3A_54, %mul3A_55 : i32
      %add3A_57 = arith.constant 0 : i32
      %add3A_58 = arith.addi %add3A_57, %mul3A_56 : i32
      %mul3A_59 = arith.constant 2 : i32
      %mul3A_60 = arith.muli %mul3A_59, %add3A_58 : i32
      %lt3A = arith.constant 4 : i32
      %lt3A_61 = arith.cmpi slt, %add3A_58, %lt3A : i32
      %scan3A_62 = arith.constant 0 : i32
      %scan3A_63 = arith.constant 11 : i32
      %scan3A_64 = arith.addi %scan3A_62, %scan3A_63 : i32
      %scan3A_65 = arith.constant 1 : i32
      scf.for %scan3A_127 = %scan3A_62 to %scan3A_64 step %scan3A_65  : i32 {
        %mul3A_128 = arith.constant 1 : i32
        %mul3A_129 = arith.muli %scan3A_127, %mul3A_128 : i32
        %add3A_130 = arith.constant 0 : i32
        %add3A_131 = arith.addi %add3A_130, %mul3A_129 : i32
        %mul3A_132 = arith.constant 2 : i32
        %mul3A_133 = arith.muli %mul3A_132, %add3A_131 : i32
        %add3A_134 = arith.constant 1 : i32
        %add3A_135 = arith.addi %mul3A_133, %add3A_134 : i32
        %dma_start3A_136 = arith.constant 0 : i32
        %dma_start3A_137 = tpu.memref_slice %arg7[%add3A_135, %dma_start3A_136] : memref<24x128xi32, #tpu.memory_space<vmem>> -> memref<1x128xi32, #tpu.memory_space<vmem>>
        %dma_start3A_138 = tpu.memref_squeeze %dma_start3A_137 : memref<1x128xi32, #tpu.memory_space<vmem>> -> memref<128xi32, #tpu.memory_space<vmem>>
        %dma_start3A_139 = arith.constant 0 : i32
        %dma_start3A_140 = arith.constant 0 : i32
        %dma_start3A_141 = tpu.memref_slice %arg2[%dma_start3A_139, %dma_start3A_140] : memref<30000x128xf32, #tpu.memory_space<hbm>> -> memref<30000x128xf32, #tpu.memory_space<hbm>>
        tpu.enqueue_indirect_dma source(%dma_start3A_141 : memref<30000x128xf32, #tpu.memory_space<hbm>>) target(%arg12 : memref<128x128xf32, #tpu.memory_space<vmem>>) offsets(%dma_start3A_138 : memref<128xi32, #tpu.memory_space<vmem>>) semaphore(%arg17 : memref<!tpu.dma_semaphore, #tpu.memory_space<semaphore_mem>>)
        %dma_wait3A_142 = arith.constant 0 : i32
        %dma_wait3A_143 = arith.constant 0 : i32
        %dma_wait3A_144 = tpu.memref_slice %arg7[%dma_wait3A_142, %dma_wait3A_143] : memref<24x128xi32, #tpu.memory_space<vmem>> -> memref<1x128xi32, #tpu.memory_space<vmem>>
        %dma_wait3A_145 = tpu.memref_squeeze %dma_wait3A_144 : memref<1x128xi32, #tpu.memory_space<vmem>> -> memref<128xi32, #tpu.memory_space<vmem>>
        %dma_wait3A_146 = arith.constant 0 : i32
        %dma_wait3A_147 = arith.constant 0 : i32
        %dma_wait3A_148 = tpu.memref_slice %arg2[%dma_wait3A_146, %dma_wait3A_147] : memref<30000x128xf32, #tpu.memory_space<hbm>> -> memref<30000x128xf32, #tpu.memory_space<hbm>>
        tpu.wait_indirect_dma semaphore(%arg16 : memref<!tpu.dma_semaphore, #tpu.memory_space<semaphore_mem>>) src(%dma_wait3A_148 : memref<30000x128xf32, #tpu.memory_space<hbm>>) dst(%arg11 : memref<128x128xf32, #tpu.memory_space<vmem>>)
        "tpu.region"() ({
          %run_scoped3A_166 = tpu.sem_alloc : memref<!tpu.dma_semaphore, #tpu.memory_space<semaphore_mem>>
          %dma_start3A_167 = arith.constant 0 : i32
          %dma_start3A_168 = tpu.memref_slice %arg8[%mul3A_133, %dma_start3A_167] : memref<24x128xi32, #tpu.memory_space<vmem>> -> memref<1x128xi32, #tpu.memory_space<vmem>>
          %dma_start3A_169 = tpu.memref_squeeze %dma_start3A_168 : memref<1x128xi32, #tpu.memory_space<vmem>> -> memref<128xi32, #tpu.memory_space<vmem>>
          %dma_start3A_170 = arith.constant 0 : i32
          %dma_start3A_171 = arith.constant 0 : i32
          %dma_start3A_172 = tpu.memref_slice %arg13[%dma_start3A_170, %dma_start3A_171] : memref<10112x128xf32, #tpu.memory_space<vmem_shared>> -> memref<10112x128xf32, #tpu.memory_space<vmem_shared>>
          tpu.enqueue_indirect_dma source(%arg11 : memref<128x128xf32, #tpu.memory_space<vmem>>) target(%dma_start3A_172 : memref<10112x128xf32, #tpu.memory_space<vmem_shared>>) offsets(%dma_start3A_169 : memref<128xi32, #tpu.memory_space<vmem>>) semaphore(%run_scoped3A_166 : memref<!tpu.dma_semaphore, #tpu.memory_space<semaphore_mem>>) {add = true}
          %dma_wait3A_173 = arith.constant 0 : i32
          %dma_wait3A_174 = tpu.memref_slice %arg8[%mul3A_133, %dma_wait3A_173] : memref<24x128xi32, #tpu.memory_space<vmem>> -> memref<1x128xi32, #tpu.memory_space<vmem>>
          %dma_wait3A_175 = tpu.memref_squeeze %dma_wait3A_174 : memref<1x128xi32, #tpu.memory_space<vmem>> -> memref<128xi32, #tpu.memory_space<vmem>>
          %dma_wait3A_176 = arith.constant 0 : i32
          %dma_wait3A_177 = arith.constant 0 : i32
          %dma_wait3A_178 = tpu.memref_slice %arg13[%dma_wait3A_176, %dma_wait3A_177] : memref<10112x128xf32, #tpu.memory_space<vmem_shared>> -> memref<10112x128xf32, #tpu.memory_space<vmem_shared>>
          tpu.wait_indirect_dma semaphore(%run_scoped3A_166 : memref<!tpu.dma_semaphore, #tpu.memory_space<semaphore_mem>>) src(%arg11 : memref<128x128xf32, #tpu.memory_space<vmem>>) dst(%dma_wait3A_178 : memref<10112x128xf32, #tpu.memory_space<vmem_shared>>)
          tpu.yield
        }) : () -> ()
        %add3A_149 = arith.constant 2 : i32
        %add3A_150 = arith.addi %mul3A_133, %add3A_149 : i32
        %dma_start3A_151 = arith.constant 0 : i32
        %dma_start3A_152 = tpu.memref_slice %arg7[%add3A_150, %dma_start3A_151] : memref<24x128xi32, #tpu.memory_space<vmem>> -> memref<1x128xi32, #tpu.memory_space<vmem>>
        %dma_start3A_153 = tpu.memref_squeeze %dma_start3A_152 : memref<1x128xi32, #tpu.memory_space<vmem>> -> memref<128xi32, #tpu.memory_space<vmem>>
        %dma_start3A_154 = arith.constant 0 : i32
        %dma_start3A_155 = arith.constant 0 : i32
        %dma_start3A_156 = tpu.memref_slice %arg2[%dma_start3A_154, %dma_start3A_155] : memref<30000x128xf32, #tpu.memory_space<hbm>> -> memref<30000x128xf32, #tpu.memory_space<hbm>>
        tpu.enqueue_indirect_dma source(%dma_start3A_156 : memref<30000x128xf32, #tpu.memory_space<hbm>>) target(%arg11 : memref<128x128xf32, #tpu.memory_space<vmem>>) offsets(%dma_start3A_153 : memref<128xi32, #tpu.memory_space<vmem>>) semaphore(%arg16 : memref<!tpu.dma_semaphore, #tpu.memory_space<semaphore_mem>>)
        %dma_wait3A_157 = arith.constant 0 : i32
        %dma_wait3A_158 = arith.constant 0 : i32
        %dma_wait3A_159 = tpu.memref_slice %arg7[%dma_wait3A_157, %dma_wait3A_158] : memref<24x128xi32, #tpu.memory_space<vmem>> -> memref<1x128xi32, #tpu.memory_space<vmem>>
        %dma_wait3A_160 = tpu.memref_squeeze %dma_wait3A_159 : memref<1x128xi32, #tpu.memory_space<vmem>> -> memref<128xi32, #tpu.memory_space<vmem>>
        %dma_wait3A_161 = arith.constant 0 : i32
        %dma_wait3A_162 = arith.constant 0 : i32
        %dma_wait3A_163 = tpu.memref_slice %arg2[%dma_wait3A_161, %dma_wait3A_162] : memref<30000x128xf32, #tpu.memory_space<hbm>> -> memref<30000x128xf32, #tpu.memory_space<hbm>>
        tpu.wait_indirect_dma semaphore(%arg17 : memref<!tpu.dma_semaphore, #tpu.memory_space<semaphore_mem>>) src(%dma_wait3A_163 : memref<30000x128xf32, #tpu.memory_space<hbm>>) dst(%arg12 : memref<128x128xf32, #tpu.memory_space<vmem>>)
        %add3A_164 = arith.constant 1 : i32
        %add3A_165 = arith.addi %mul3A_133, %add3A_164 : i32
        "tpu.region"() ({
          %run_scoped3A_166 = tpu.sem_alloc : memref<!tpu.dma_semaphore, #tpu.memory_space<semaphore_mem>>
          %dma_start3A_167 = arith.constant 0 : i32
          %dma_start3A_168 = tpu.memref_slice %arg8[%add3A_165, %dma_start3A_167] : memref<24x128xi32, #tpu.memory_space<vmem>> -> memref<1x128xi32, #tpu.memory_space<vmem>>
          %dma_start3A_169 = tpu.memref_squeeze %dma_start3A_168 : memref<1x128xi32, #tpu.memory_space<vmem>> -> memref<128xi32, #tpu.memory_space<vmem>>
          %dma_start3A_170 = arith.constant 0 : i32
          %dma_start3A_171 = arith.constant 0 : i32
          %dma_start3A_172 = tpu.memref_slice %arg13[%dma_start3A_170, %dma_start3A_171] : memref<10112x128xf32, #tpu.memory_space<vmem_shared>> -> memref<10112x128xf32, #tpu.memory_space<vmem_shared>>
          tpu.enqueue_indirect_dma source(%arg12 : memref<128x128xf32, #tpu.memory_space<vmem>>) target(%dma_start3A_172 : memref<10112x128xf32, #tpu.memory_space<vmem_shared>>) offsets(%dma_start3A_169 : memref<128xi32, #tpu.memory_space<vmem>>) semaphore(%run_scoped3A_166 : memref<!tpu.dma_semaphore, #tpu.memory_space<semaphore_mem>>) {add = true}
          %dma_wait3A_173 = arith.constant 0 : i32
          %dma_wait3A_174 = tpu.memref_slice %arg8[%add3A_165, %dma_wait3A_173] : memref<24x128xi32, #tpu.memory_space<vmem>> -> memref<1x128xi32, #tpu.memory_space<vmem>>
          %dma_wait3A_175 = tpu.memref_squeeze %dma_wait3A_174 : memref<1x128xi32, #tpu.memory_space<vmem>> -> memref<128xi32, #tpu.memory_space<vmem>>
          %dma_wait3A_176 = arith.constant 0 : i32
          %dma_wait3A_177 = arith.constant 0 : i32
          %dma_wait3A_178 = tpu.memref_slice %arg13[%dma_wait3A_176, %dma_wait3A_177] : memref<10112x128xf32, #tpu.memory_space<vmem_shared>> -> memref<10112x128xf32, #tpu.memory_space<vmem_shared>>
          tpu.wait_indirect_dma semaphore(%run_scoped3A_166 : memref<!tpu.dma_semaphore, #tpu.memory_space<semaphore_mem>>) src(%arg12 : memref<128x128xf32, #tpu.memory_space<vmem>>) dst(%dma_wait3A_178 : memref<10112x128xf32, #tpu.memory_space<vmem_shared>>)
          tpu.yield
        }) : () -> ()
      }
      %scan3A_66 = arith.constant 11 : i32
      %dma_start3A_67 = arith.constant 23 : i32
      %dma_start3A_68 = arith.constant 0 : i32
      %dma_start3A_69 = tpu.memref_slice %arg7[%dma_start3A_67, %dma_start3A_68] : memref<24x128xi32, #tpu.memory_space<vmem>> -> memref<1x128xi32, #tpu.memory_space<vmem>>
      %dma_start3A_70 = tpu.memref_squeeze %dma_start3A_69 : memref<1x128xi32, #tpu.memory_space<vmem>> -> memref<128xi32, #tpu.memory_space<vmem>>
      %dma_start3A_71 = arith.constant 0 : i32
      %dma_start3A_72 = arith.constant 0 : i32
      %dma_start3A_73 = tpu.memref_slice %arg2[%dma_start3A_71, %dma_start3A_72] : memref<30000x128xf32, #tpu.memory_space<hbm>> -> memref<30000x128xf32, #tpu.memory_space<hbm>>
      tpu.enqueue_indirect_dma source(%dma_start3A_73 : memref<30000x128xf32, #tpu.memory_space<hbm>>) target(%arg12 : memref<128x128xf32, #tpu.memory_space<vmem>>) offsets(%dma_start3A_70 : memref<128xi32, #tpu.memory_space<vmem>>) semaphore(%arg17 : memref<!tpu.dma_semaphore, #tpu.memory_space<semaphore_mem>>)
      %dma_wait3A_74 = arith.constant 0 : i32
      %dma_wait3A_75 = arith.constant 0 : i32
      %dma_wait3A_76 = tpu.memref_slice %arg7[%dma_wait3A_74, %dma_wait3A_75] : memref<24x128xi32, #tpu.memory_space<vmem>> -> memref<1x128xi32, #tpu.memory_space<vmem>>
      %dma_wait3A_77 = tpu.memref_squeeze %dma_wait3A_76 : memref<1x128xi32, #tpu.memory_space<vmem>> -> memref<128xi32, #tpu.memory_space<vmem>>
      %dma_wait3A_78 = arith.constant 0 : i32
      %dma_wait3A_79 = arith.constant 0 : i32
      %dma_wait3A_80 = tpu.memref_slice %arg2[%dma_wait3A_78, %dma_wait3A_79] : memref<30000x128xf32, #tpu.memory_space<hbm>> -> memref<30000x128xf32, #tpu.memory_space<hbm>>
      tpu.wait_indirect_dma semaphore(%arg16 : memref<!tpu.dma_semaphore, #tpu.memory_space<semaphore_mem>>) src(%dma_wait3A_80 : memref<30000x128xf32, #tpu.memory_space<hbm>>) dst(%arg11 : memref<128x128xf32, #tpu.memory_space<vmem>>)
      %run_scoped3A = arith.constant 22 : i32
      "tpu.region"() ({
        %run_scoped3A_127 = tpu.sem_alloc : memref<!tpu.dma_semaphore, #tpu.memory_space<semaphore_mem>>
        %dma_start3A_128 = arith.constant 0 : i32
        %dma_start3A_129 = tpu.memref_slice %arg8[%run_scoped3A, %dma_start3A_128] : memref<24x128xi32, #tpu.memory_space<vmem>> -> memref<1x128xi32, #tpu.memory_space<vmem>>
        %dma_start3A_130 = tpu.memref_squeeze %dma_start3A_129 : memref<1x128xi32, #tpu.memory_space<vmem>> -> memref<128xi32, #tpu.memory_space<vmem>>
        %dma_start3A_131 = arith.constant 0 : i32
        %dma_start3A_132 = arith.constant 0 : i32
        %dma_start3A_133 = tpu.memref_slice %arg13[%dma_start3A_131, %dma_start3A_132] : memref<10112x128xf32, #tpu.memory_space<vmem_shared>> -> memref<10112x128xf32, #tpu.memory_space<vmem_shared>>
        tpu.enqueue_indirect_dma source(%arg11 : memref<128x128xf32, #tpu.memory_space<vmem>>) target(%dma_start3A_133 : memref<10112x128xf32, #tpu.memory_space<vmem_shared>>) offsets(%dma_start3A_130 : memref<128xi32, #tpu.memory_space<vmem>>) semaphore(%run_scoped3A_127 : memref<!tpu.dma_semaphore, #tpu.memory_space<semaphore_mem>>) {add = true}
        %dma_wait3A_134 = arith.constant 0 : i32
        %dma_wait3A_135 = tpu.memref_slice %arg8[%run_scoped3A, %dma_wait3A_134] : memref<24x128xi32, #tpu.memory_space<vmem>> -> memref<1x128xi32, #tpu.memory_space<vmem>>
        %dma_wait3A_136 = tpu.memref_squeeze %dma_wait3A_135 : memref<1x128xi32, #tpu.memory_space<vmem>> -> memref<128xi32, #tpu.memory_space<vmem>>
        %dma_wait3A_137 = arith.constant 0 : i32
        %dma_wait3A_138 = arith.constant 0 : i32
        %dma_wait3A_139 = tpu.memref_slice %arg13[%dma_wait3A_137, %dma_wait3A_138] : memref<10112x128xf32, #tpu.memory_space<vmem_shared>> -> memref<10112x128xf32, #tpu.memory_space<vmem_shared>>
        tpu.wait_indirect_dma semaphore(%run_scoped3A_127 : memref<!tpu.dma_semaphore, #tpu.memory_space<semaphore_mem>>) src(%arg11 : memref<128x128xf32, #tpu.memory_space<vmem>>) dst(%dma_wait3A_139 : memref<10112x128xf32, #tpu.memory_space<vmem_shared>>)
        tpu.yield
      }) : () -> ()
      %convert_element_type3A = arith.extui %scan3A : i1 to i32
      %cond3A = arith.constant 0 : i32
      %cond3A_81 = arith.cmpi ne, %convert_element_type3A, %cond3A : i32
      scf.if %cond3A_81 {
        %dma_wait3A_127 = arith.constant 0 : i32
        %dma_wait3A_128 = arith.constant 0 : i32
        %dma_wait3A_129 = tpu.memref_slice %arg3[%dma_wait3A_127, %dma_wait3A_128] : memref<7680x128xi32, #tpu.memory_space<hbm>> -> memref<24x128xi32, #tpu.memory_space<hbm>>
        %dma_wait3A_130 = arith.constant 0 : i32
        %dma_wait3A_131 = arith.constant 0 : i32
        %dma_wait3A_132 = tpu.memref_slice %arg3[%dma_wait3A_130, %dma_wait3A_131] : memref<7680x128xi32, #tpu.memory_space<hbm>> -> memref<24x128xi32, #tpu.memory_space<hbm>>
        tpu.wait_dma2 semaphore(%arg15 : memref<!tpu.dma_semaphore, #tpu.memory_space<semaphore_mem>>) src(%dma_wait3A_132 : memref<24x128xi32, #tpu.memory_space<hbm>>) dst(%arg9 : memref<24x128xi32, #tpu.memory_space<vmem>>)
        %dma_wait3A_133 = arith.constant 0 : i32
        %dma_wait3A_134 = arith.constant 0 : i32
        %dma_wait3A_135 = tpu.memref_slice %arg3[%dma_wait3A_133, %dma_wait3A_134] : memref<7680x128xi32, #tpu.memory_space<hbm>> -> memref<24x128xi32, #tpu.memory_space<hbm>>
        %dma_wait3A_136 = arith.constant 0 : i32
        %dma_wait3A_137 = arith.constant 0 : i32
        %dma_wait3A_138 = tpu.memref_slice %arg3[%dma_wait3A_136, %dma_wait3A_137] : memref<7680x128xi32, #tpu.memory_space<hbm>> -> memref<24x128xi32, #tpu.memory_space<hbm>>
        tpu.wait_dma2 semaphore(%arg15 : memref<!tpu.dma_semaphore, #tpu.memory_space<semaphore_mem>>) src(%dma_wait3A_138 : memref<24x128xi32, #tpu.memory_space<hbm>>) dst(%arg9 : memref<24x128xi32, #tpu.memory_space<vmem>>)
        %dma_start3A_139 = arith.constant 0 : i32
        %dma_start3A_140 = arith.constant 0 : i32
        %dma_start3A_141 = tpu.memref_slice %arg9[%dma_start3A_139, %dma_start3A_140] : memref<24x128xi32, #tpu.memory_space<vmem>> -> memref<1x128xi32, #tpu.memory_space<vmem>>
        %dma_start3A_142 = tpu.memref_squeeze %dma_start3A_141 : memref<1x128xi32, #tpu.memory_space<vmem>> -> memref<128xi32, #tpu.memory_space<vmem>>
        %dma_start3A_143 = arith.constant 0 : i32
        %dma_start3A_144 = arith.constant 0 : i32
        %dma_start3A_145 = tpu.memref_slice %arg2[%dma_start3A_143, %dma_start3A_144] : memref<30000x128xf32, #tpu.memory_space<hbm>> -> memref<30000x128xf32, #tpu.memory_space<hbm>>
        tpu.enqueue_indirect_dma source(%dma_start3A_145 : memref<30000x128xf32, #tpu.memory_space<hbm>>) target(%arg11 : memref<128x128xf32, #tpu.memory_space<vmem>>) offsets(%dma_start3A_142 : memref<128xi32, #tpu.memory_space<vmem>>) semaphore(%arg16 : memref<!tpu.dma_semaphore, #tpu.memory_space<semaphore_mem>>)
      } else {
      }
      %dma_wait3A_82 = arith.constant 0 : i32
      %dma_wait3A_83 = arith.constant 0 : i32
      %dma_wait3A_84 = tpu.memref_slice %arg7[%dma_wait3A_82, %dma_wait3A_83] : memref<24x128xi32, #tpu.memory_space<vmem>> -> memref<1x128xi32, #tpu.memory_space<vmem>>
      %dma_wait3A_85 = tpu.memref_squeeze %dma_wait3A_84 : memref<1x128xi32, #tpu.memory_space<vmem>> -> memref<128xi32, #tpu.memory_space<vmem>>
      %dma_wait3A_86 = arith.constant 0 : i32
      %dma_wait3A_87 = arith.constant 0 : i32
      %dma_wait3A_88 = tpu.memref_slice %arg2[%dma_wait3A_86, %dma_wait3A_87] : memref<30000x128xf32, #tpu.memory_space<hbm>> -> memref<30000x128xf32, #tpu.memory_space<hbm>>
      tpu.wait_indirect_dma semaphore(%arg17 : memref<!tpu.dma_semaphore, #tpu.memory_space<semaphore_mem>>) src(%dma_wait3A_88 : memref<30000x128xf32, #tpu.memory_space<hbm>>) dst(%arg12 : memref<128x128xf32, #tpu.memory_space<vmem>>)
      %run_scoped3A_89 = arith.constant 23 : i32
      "tpu.region"() ({
        %run_scoped3A_127 = tpu.sem_alloc : memref<!tpu.dma_semaphore, #tpu.memory_space<semaphore_mem>>
        %dma_start3A_128 = arith.constant 0 : i32
        %dma_start3A_129 = tpu.memref_slice %arg8[%run_scoped3A_89, %dma_start3A_128] : memref<24x128xi32, #tpu.memory_space<vmem>> -> memref<1x128xi32, #tpu.memory_space<vmem>>
        %dma_start3A_130 = tpu.memref_squeeze %dma_start3A_129 : memref<1x128xi32, #tpu.memory_space<vmem>> -> memref<128xi32, #tpu.memory_space<vmem>>
        %dma_start3A_131 = arith.constant 0 : i32
        %dma_start3A_132 = arith.constant 0 : i32
        %dma_start3A_133 = tpu.memref_slice %arg13[%dma_start3A_131, %dma_start3A_132] : memref<10112x128xf32, #tpu.memory_space<vmem_shared>> -> memref<10112x128xf32, #tpu.memory_space<vmem_shared>>
        tpu.enqueue_indirect_dma source(%arg12 : memref<128x128xf32, #tpu.memory_space<vmem>>) target(%dma_start3A_133 : memref<10112x128xf32, #tpu.memory_space<vmem_shared>>) offsets(%dma_start3A_130 : memref<128xi32, #tpu.memory_space<vmem>>) semaphore(%run_scoped3A_127 : memref<!tpu.dma_semaphore, #tpu.memory_space<semaphore_mem>>) {add = true}
        %dma_wait3A_134 = arith.constant 0 : i32
        %dma_wait3A_135 = tpu.memref_slice %arg8[%run_scoped3A_89, %dma_wait3A_134] : memref<24x128xi32, #tpu.memory_space<vmem>> -> memref<1x128xi32, #tpu.memory_space<vmem>>
        %dma_wait3A_136 = tpu.memref_squeeze %dma_wait3A_135 : memref<1x128xi32, #tpu.memory_space<vmem>> -> memref<128xi32, #tpu.memory_space<vmem>>
        %dma_wait3A_137 = arith.constant 0 : i32
        %dma_wait3A_138 = arith.constant 0 : i32
        %dma_wait3A_139 = tpu.memref_slice %arg13[%dma_wait3A_137, %dma_wait3A_138] : memref<10112x128xf32, #tpu.memory_space<vmem_shared>> -> memref<10112x128xf32, #tpu.memory_space<vmem_shared>>
        tpu.wait_indirect_dma semaphore(%run_scoped3A_127 : memref<!tpu.dma_semaphore, #tpu.memory_space<semaphore_mem>>) src(%arg12 : memref<128x128xf32, #tpu.memory_space<vmem>>) dst(%dma_wait3A_139 : memref<10112x128xf32, #tpu.memory_space<vmem_shared>>)
        tpu.yield
      }) : () -> ()
      %convert_element_type3A_90 = arith.extui %lt3A_61 : i1 to i32
      %cond3A_91 = arith.constant 0 : i32
      %cond3A_92 = arith.cmpi ne, %convert_element_type3A_90, %cond3A_91 : i32
      scf.if %cond3A_92 {
        %add3A_127 = arith.constant 2 : i32
        %add3A_128 = arith.addi %mul3A_60, %add3A_127 : i32
        %mul3A_129 = arith.constant 24 : i32
        %mul3A_130 = arith.muli %add3A_128, %mul3A_129 : i32
        %add3A_131 = arith.addi %mul3A_2, %mul3A_130 : i32
        %dma_start3A_132 = arith.constant 0 : i32
        %dma_start3A_133 = tpu.memref_slice %arg3[%add3A_131, %dma_start3A_132] : memref<7680x128xi32, #tpu.memory_space<hbm>> -> memref<24x128xi32, #tpu.memory_space<hbm>>
        %dma_start3A_134 = arith.constant 0 : i32
        %dma_start3A_135 = tpu.memref_slice %arg3[%add3A_131, %dma_start3A_134] : memref<7680x128xi32, #tpu.memory_space<hbm>> -> memref<24x128xi32, #tpu.memory_space<hbm>>
        tpu.enqueue_dma source(%dma_start3A_135 : memref<24x128xi32, #tpu.memory_space<hbm>>) target(%arg7 : memref<24x128xi32, #tpu.memory_space<vmem>>) target_semaphore(%arg14 : memref<!tpu.dma_semaphore, #tpu.memory_space<semaphore_mem>>)
        %add3A_136 = arith.constant 2 : i32
        %add3A_137 = arith.addi %mul3A_60, %add3A_136 : i32
        %mul3A_138 = arith.constant 24 : i32
        %mul3A_139 = arith.muli %add3A_137, %mul3A_138 : i32
        %add3A_140 = arith.addi %mul3A_2, %mul3A_139 : i32
        %dma_start3A_141 = arith.constant 0 : i32
        %dma_start3A_142 = tpu.memref_slice %arg4[%add3A_140, %dma_start3A_141] : memref<7680x128xi32, #tpu.memory_space<hbm>> -> memref<24x128xi32, #tpu.memory_space<hbm>>
        %dma_start3A_143 = arith.constant 0 : i32
        %dma_start3A_144 = tpu.memref_slice %arg4[%add3A_140, %dma_start3A_143] : memref<7680x128xi32, #tpu.memory_space<hbm>> -> memref<24x128xi32, #tpu.memory_space<hbm>>
        tpu.enqueue_dma source(%dma_start3A_144 : memref<24x128xi32, #tpu.memory_space<hbm>>) target(%arg8 : memref<24x128xi32, #tpu.memory_space<vmem>>) target_semaphore(%arg14 : memref<!tpu.dma_semaphore, #tpu.memory_space<semaphore_mem>>)
      } else {
      }
      %scan3A_93 = arith.constant 0 : i32
      %scan3A_94 = arith.constant 11 : i32
      %scan3A_95 = arith.addi %scan3A_93, %scan3A_94 : i32
      %scan3A_96 = arith.constant 1 : i32
      scf.for %scan3A_127 = %scan3A_93 to %scan3A_95 step %scan3A_96  : i32 {
        %mul3A_128 = arith.constant 1 : i32
        %mul3A_129 = arith.muli %scan3A_127, %mul3A_128 : i32
        %add3A_130 = arith.constant 0 : i32
        %add3A_131 = arith.addi %add3A_130, %mul3A_129 : i32
        %mul3A_132 = arith.constant 2 : i32
        %mul3A_133 = arith.muli %mul3A_132, %add3A_131 : i32
        %add3A_134 = arith.constant 1 : i32
        %add3A_135 = arith.addi %mul3A_133, %add3A_134 : i32
        %dma_start3A_136 = arith.constant 0 : i32
        %dma_start3A_137 = tpu.memref_slice %arg9[%add3A_135, %dma_start3A_136] : memref<24x128xi32, #tpu.memory_space<vmem>> -> memref<1x128xi32, #tpu.memory_space<vmem>>
        %dma_start3A_138 = tpu.memref_squeeze %dma_start3A_137 : memref<1x128xi32, #tpu.memory_space<vmem>> -> memref<128xi32, #tpu.memory_space<vmem>>
        %dma_start3A_139 = arith.constant 0 : i32
        %dma_start3A_140 = arith.constant 0 : i32
        %dma_start3A_141 = tpu.memref_slice %arg2[%dma_start3A_139, %dma_start3A_140] : memref<30000x128xf32, #tpu.memory_space<hbm>> -> memref<30000x128xf32, #tpu.memory_space<hbm>>
        tpu.enqueue_indirect_dma source(%dma_start3A_141 : memref<30000x128xf32, #tpu.memory_space<hbm>>) target(%arg12 : memref<128x128xf32, #tpu.memory_space<vmem>>) offsets(%dma_start3A_138 : memref<128xi32, #tpu.memory_space<vmem>>) semaphore(%arg17 : memref<!tpu.dma_semaphore, #tpu.memory_space<semaphore_mem>>)
        %dma_wait3A_142 = arith.constant 0 : i32
        %dma_wait3A_143 = arith.constant 0 : i32
        %dma_wait3A_144 = tpu.memref_slice %arg7[%dma_wait3A_142, %dma_wait3A_143] : memref<24x128xi32, #tpu.memory_space<vmem>> -> memref<1x128xi32, #tpu.memory_space<vmem>>
        %dma_wait3A_145 = tpu.memref_squeeze %dma_wait3A_144 : memref<1x128xi32, #tpu.memory_space<vmem>> -> memref<128xi32, #tpu.memory_space<vmem>>
        %dma_wait3A_146 = arith.constant 0 : i32
        %dma_wait3A_147 = arith.constant 0 : i32
        %dma_wait3A_148 = tpu.memref_slice %arg2[%dma_wait3A_146, %dma_wait3A_147] : memref<30000x128xf32, #tpu.memory_space<hbm>> -> memref<30000x128xf32, #tpu.memory_space<hbm>>
        tpu.wait_indirect_dma semaphore(%arg16 : memref<!tpu.dma_semaphore, #tpu.memory_space<semaphore_mem>>) src(%dma_wait3A_148 : memref<30000x128xf32, #tpu.memory_space<hbm>>) dst(%arg11 : memref<128x128xf32, #tpu.memory_space<vmem>>)
        "tpu.region"() ({
          %run_scoped3A_166 = tpu.sem_alloc : memref<!tpu.dma_semaphore, #tpu.memory_space<semaphore_mem>>
          %dma_start3A_167 = arith.constant 0 : i32
          %dma_start3A_168 = tpu.memref_slice %arg10[%mul3A_133, %dma_start3A_167] : memref<24x128xi32, #tpu.memory_space<vmem>> -> memref<1x128xi32, #tpu.memory_space<vmem>>
          %dma_start3A_169 = tpu.memref_squeeze %dma_start3A_168 : memref<1x128xi32, #tpu.memory_space<vmem>> -> memref<128xi32, #tpu.memory_space<vmem>>
          %dma_start3A_170 = arith.constant 0 : i32
          %dma_start3A_171 = arith.constant 0 : i32
          %dma_start3A_172 = tpu.memref_slice %arg13[%dma_start3A_170, %dma_start3A_171] : memref<10112x128xf32, #tpu.memory_space<vmem_shared>> -> memref<10112x128xf32, #tpu.memory_space<vmem_shared>>
          tpu.enqueue_indirect_dma source(%arg11 : memref<128x128xf32, #tpu.memory_space<vmem>>) target(%dma_start3A_172 : memref<10112x128xf32, #tpu.memory_space<vmem_shared>>) offsets(%dma_start3A_169 : memref<128xi32, #tpu.memory_space<vmem>>) semaphore(%run_scoped3A_166 : memref<!tpu.dma_semaphore, #tpu.memory_space<semaphore_mem>>) {add = true}
          %dma_wait3A_173 = arith.constant 0 : i32
          %dma_wait3A_174 = tpu.memref_slice %arg10[%mul3A_133, %dma_wait3A_173] : memref<24x128xi32, #tpu.memory_space<vmem>> -> memref<1x128xi32, #tpu.memory_space<vmem>>
          %dma_wait3A_175 = tpu.memref_squeeze %dma_wait3A_174 : memref<1x128xi32, #tpu.memory_space<vmem>> -> memref<128xi32, #tpu.memory_space<vmem>>
          %dma_wait3A_176 = arith.constant 0 : i32
          %dma_wait3A_177 = arith.constant 0 : i32
          %dma_wait3A_178 = tpu.memref_slice %arg13[%dma_wait3A_176, %dma_wait3A_177] : memref<10112x128xf32, #tpu.memory_space<vmem_shared>> -> memref<10112x128xf32, #tpu.memory_space<vmem_shared>>
          tpu.wait_indirect_dma semaphore(%run_scoped3A_166 : memref<!tpu.dma_semaphore, #tpu.memory_space<semaphore_mem>>) src(%arg11 : memref<128x128xf32, #tpu.memory_space<vmem>>) dst(%dma_wait3A_178 : memref<10112x128xf32, #tpu.memory_space<vmem_shared>>)
          tpu.yield
        }) : () -> ()
        %add3A_149 = arith.constant 2 : i32
        %add3A_150 = arith.addi %mul3A_133, %add3A_149 : i32
        %dma_start3A_151 = arith.constant 0 : i32
        %dma_start3A_152 = tpu.memref_slice %arg9[%add3A_150, %dma_start3A_151] : memref<24x128xi32, #tpu.memory_space<vmem>> -> memref<1x128xi32, #tpu.memory_space<vmem>>
        %dma_start3A_153 = tpu.memref_squeeze %dma_start3A_152 : memref<1x128xi32, #tpu.memory_space<vmem>> -> memref<128xi32, #tpu.memory_space<vmem>>
        %dma_start3A_154 = arith.constant 0 : i32
        %dma_start3A_155 = arith.constant 0 : i32
        %dma_start3A_156 = tpu.memref_slice %arg2[%dma_start3A_154, %dma_start3A_155] : memref<30000x128xf32, #tpu.memory_space<hbm>> -> memref<30000x128xf32, #tpu.memory_space<hbm>>
        tpu.enqueue_indirect_dma source(%dma_start3A_156 : memref<30000x128xf32, #tpu.memory_space<hbm>>) target(%arg11 : memref<128x128xf32, #tpu.memory_space<vmem>>) offsets(%dma_start3A_153 : memref<128xi32, #tpu.memory_space<vmem>>) semaphore(%arg16 : memref<!tpu.dma_semaphore, #tpu.memory_space<semaphore_mem>>)
        %dma_wait3A_157 = arith.constant 0 : i32
        %dma_wait3A_158 = arith.constant 0 : i32
        %dma_wait3A_159 = tpu.memref_slice %arg7[%dma_wait3A_157, %dma_wait3A_158] : memref<24x128xi32, #tpu.memory_space<vmem>> -> memref<1x128xi32, #tpu.memory_space<vmem>>
        %dma_wait3A_160 = tpu.memref_squeeze %dma_wait3A_159 : memref<1x128xi32, #tpu.memory_space<vmem>> -> memref<128xi32, #tpu.memory_space<vmem>>
        %dma_wait3A_161 = arith.constant 0 : i32
        %dma_wait3A_162 = arith.constant 0 : i32
        %dma_wait3A_163 = tpu.memref_slice %arg2[%dma_wait3A_161, %dma_wait3A_162] : memref<30000x128xf32, #tpu.memory_space<hbm>> -> memref<30000x128xf32, #tpu.memory_space<hbm>>
        tpu.wait_indirect_dma semaphore(%arg17 : memref<!tpu.dma_semaphore, #tpu.memory_space<semaphore_mem>>) src(%dma_wait3A_163 : memref<30000x128xf32, #tpu.memory_space<hbm>>) dst(%arg12 : memref<128x128xf32, #tpu.memory_space<vmem>>)
        %add3A_164 = arith.constant 1 : i32
        %add3A_165 = arith.addi %mul3A_133, %add3A_164 : i32
        "tpu.region"() ({
          %run_scoped3A_166 = tpu.sem_alloc : memref<!tpu.dma_semaphore, #tpu.memory_space<semaphore_mem>>
          %dma_start3A_167 = arith.constant 0 : i32
          %dma_start3A_168 = tpu.memref_slice %arg10[%add3A_165, %dma_start3A_167] : memref<24x128xi32, #tpu.memory_space<vmem>> -> memref<1x128xi32, #tpu.memory_space<vmem>>
          %dma_start3A_169 = tpu.memref_squeeze %dma_start3A_168 : memref<1x128xi32, #tpu.memory_space<vmem>> -> memref<128xi32, #tpu.memory_space<vmem>>
          %dma_start3A_170 = arith.constant 0 : i32
          %dma_start3A_171 = arith.constant 0 : i32
          %dma_start3A_172 = tpu.memref_slice %arg13[%dma_start3A_170, %dma_start3A_171] : memref<10112x128xf32, #tpu.memory_space<vmem_shared>> -> memref<10112x128xf32, #tpu.memory_space<vmem_shared>>
          tpu.enqueue_indirect_dma source(%arg12 : memref<128x128xf32, #tpu.memory_space<vmem>>) target(%dma_start3A_172 : memref<10112x128xf32, #tpu.memory_space<vmem_shared>>) offsets(%dma_start3A_169 : memref<128xi32, #tpu.memory_space<vmem>>) semaphore(%run_scoped3A_166 : memref<!tpu.dma_semaphore, #tpu.memory_space<semaphore_mem>>) {add = true}
          %dma_wait3A_173 = arith.constant 0 : i32
          %dma_wait3A_174 = tpu.memref_slice %arg10[%add3A_165, %dma_wait3A_173] : memref<24x128xi32, #tpu.memory_space<vmem>> -> memref<1x128xi32, #tpu.memory_space<vmem>>
          %dma_wait3A_175 = tpu.memref_squeeze %dma_wait3A_174 : memref<1x128xi32, #tpu.memory_space<vmem>> -> memref<128xi32, #tpu.memory_space<vmem>>
          %dma_wait3A_176 = arith.constant 0 : i32
          %dma_wait3A_177 = arith.constant 0 : i32
          %dma_wait3A_178 = tpu.memref_slice %arg13[%dma_wait3A_176, %dma_wait3A_177] : memref<10112x128xf32, #tpu.memory_space<vmem_shared>> -> memref<10112x128xf32, #tpu.memory_space<vmem_shared>>
          tpu.wait_indirect_dma semaphore(%run_scoped3A_166 : memref<!tpu.dma_semaphore, #tpu.memory_space<semaphore_mem>>) src(%arg12 : memref<128x128xf32, #tpu.memory_space<vmem>>) dst(%dma_wait3A_178 : memref<10112x128xf32, #tpu.memory_space<vmem_shared>>)
          tpu.yield
        }) : () -> ()
      }
      %scan3A_97 = arith.constant 11 : i32
      %dma_start3A_98 = arith.constant 23 : i32
      %dma_start3A_99 = arith.constant 0 : i32
      %dma_start3A_100 = tpu.memref_slice %arg9[%dma_start3A_98, %dma_start3A_99] : memref<24x128xi32, #tpu.memory_space<vmem>> -> memref<1x128xi32, #tpu.memory_space<vmem>>
      %dma_start3A_101 = tpu.memref_squeeze %dma_start3A_100 : memref<1x128xi32, #tpu.memory_space<vmem>> -> memref<128xi32, #tpu.memory_space<vmem>>
      %dma_start3A_102 = arith.constant 0 : i32
      %dma_start3A_103 = arith.constant 0 : i32
      %dma_start3A_104 = tpu.memref_slice %arg2[%dma_start3A_102, %dma_start3A_103] : memref<30000x128xf32, #tpu.memory_space<hbm>> -> memref<30000x128xf32, #tpu.memory_space<hbm>>
      tpu.enqueue_indirect_dma source(%dma_start3A_104 : memref<30000x128xf32, #tpu.memory_space<hbm>>) target(%arg12 : memref<128x128xf32, #tpu.memory_space<vmem>>) offsets(%dma_start3A_101 : memref<128xi32, #tpu.memory_space<vmem>>) semaphore(%arg17 : memref<!tpu.dma_semaphore, #tpu.memory_space<semaphore_mem>>)
      %dma_wait3A_105 = arith.constant 0 : i32
      %dma_wait3A_106 = arith.constant 0 : i32
      %dma_wait3A_107 = tpu.memref_slice %arg7[%dma_wait3A_105, %dma_wait3A_106] : memref<24x128xi32, #tpu.memory_space<vmem>> -> memref<1x128xi32, #tpu.memory_space<vmem>>
      %dma_wait3A_108 = tpu.memref_squeeze %dma_wait3A_107 : memref<1x128xi32, #tpu.memory_space<vmem>> -> memref<128xi32, #tpu.memory_space<vmem>>
      %dma_wait3A_109 = arith.constant 0 : i32
      %dma_wait3A_110 = arith.constant 0 : i32
      %dma_wait3A_111 = tpu.memref_slice %arg2[%dma_wait3A_109, %dma_wait3A_110] : memref<30000x128xf32, #tpu.memory_space<hbm>> -> memref<30000x128xf32, #tpu.memory_space<hbm>>
      tpu.wait_indirect_dma semaphore(%arg16 : memref<!tpu.dma_semaphore, #tpu.memory_space<semaphore_mem>>) src(%dma_wait3A_111 : memref<30000x128xf32, #tpu.memory_space<hbm>>) dst(%arg11 : memref<128x128xf32, #tpu.memory_space<vmem>>)
      %run_scoped3A_112 = arith.constant 22 : i32
      "tpu.region"() ({
        %run_scoped3A_127 = tpu.sem_alloc : memref<!tpu.dma_semaphore, #tpu.memory_space<semaphore_mem>>
        %dma_start3A_128 = arith.constant 0 : i32
        %dma_start3A_129 = tpu.memref_slice %arg10[%run_scoped3A_112, %dma_start3A_128] : memref<24x128xi32, #tpu.memory_space<vmem>> -> memref<1x128xi32, #tpu.memory_space<vmem>>
        %dma_start3A_130 = tpu.memref_squeeze %dma_start3A_129 : memref<1x128xi32, #tpu.memory_space<vmem>> -> memref<128xi32, #tpu.memory_space<vmem>>
        %dma_start3A_131 = arith.constant 0 : i32
        %dma_start3A_132 = arith.constant 0 : i32
        %dma_start3A_133 = tpu.memref_slice %arg13[%dma_start3A_131, %dma_start3A_132] : memref<10112x128xf32, #tpu.memory_space<vmem_shared>> -> memref<10112x128xf32, #tpu.memory_space<vmem_shared>>
        tpu.enqueue_indirect_dma source(%arg11 : memref<128x128xf32, #tpu.memory_space<vmem>>) target(%dma_start3A_133 : memref<10112x128xf32, #tpu.memory_space<vmem_shared>>) offsets(%dma_start3A_130 : memref<128xi32, #tpu.memory_space<vmem>>) semaphore(%run_scoped3A_127 : memref<!tpu.dma_semaphore, #tpu.memory_space<semaphore_mem>>) {add = true}
        %dma_wait3A_134 = arith.constant 0 : i32
        %dma_wait3A_135 = tpu.memref_slice %arg10[%run_scoped3A_112, %dma_wait3A_134] : memref<24x128xi32, #tpu.memory_space<vmem>> -> memref<1x128xi32, #tpu.memory_space<vmem>>
        %dma_wait3A_136 = tpu.memref_squeeze %dma_wait3A_135 : memref<1x128xi32, #tpu.memory_space<vmem>> -> memref<128xi32, #tpu.memory_space<vmem>>
        %dma_wait3A_137 = arith.constant 0 : i32
        %dma_wait3A_138 = arith.constant 0 : i32
        %dma_wait3A_139 = tpu.memref_slice %arg13[%dma_wait3A_137, %dma_wait3A_138] : memref<10112x128xf32, #tpu.memory_space<vmem_shared>> -> memref<10112x128xf32, #tpu.memory_space<vmem_shared>>
        tpu.wait_indirect_dma semaphore(%run_scoped3A_127 : memref<!tpu.dma_semaphore, #tpu.memory_space<semaphore_mem>>) src(%arg11 : memref<128x128xf32, #tpu.memory_space<vmem>>) dst(%dma_wait3A_139 : memref<10112x128xf32, #tpu.memory_space<vmem_shared>>)
        tpu.yield
      }) : () -> ()
      %convert_element_type3A_113 = arith.extui %lt3A_61 : i1 to i32
      %cond3A_114 = arith.constant 0 : i32
      %cond3A_115 = arith.cmpi ne, %convert_element_type3A_113, %cond3A_114 : i32
      scf.if %cond3A_115 {
        %dma_wait3A_127 = arith.constant 0 : i32
        %dma_wait3A_128 = arith.constant 0 : i32
        %dma_wait3A_129 = tpu.memref_slice %arg3[%dma_wait3A_127, %dma_wait3A_128] : memref<7680x128xi32, #tpu.memory_space<hbm>> -> memref<24x128xi32, #tpu.memory_space<hbm>>
        %dma_wait3A_130 = arith.constant 0 : i32
        %dma_wait3A_131 = arith.constant 0 : i32
        %dma_wait3A_132 = tpu.memref_slice %arg3[%dma_wait3A_130, %dma_wait3A_131] : memref<7680x128xi32, #tpu.memory_space<hbm>> -> memref<24x128xi32, #tpu.memory_space<hbm>>
        tpu.wait_dma2 semaphore(%arg14 : memref<!tpu.dma_semaphore, #tpu.memory_space<semaphore_mem>>) src(%dma_wait3A_132 : memref<24x128xi32, #tpu.memory_space<hbm>>) dst(%arg7 : memref<24x128xi32, #tpu.memory_space<vmem>>)
        %dma_wait3A_133 = arith.constant 0 : i32
        %dma_wait3A_134 = arith.constant 0 : i32
        %dma_wait3A_135 = tpu.memref_slice %arg3[%dma_wait3A_133, %dma_wait3A_134] : memref<7680x128xi32, #tpu.memory_space<hbm>> -> memref<24x128xi32, #tpu.memory_space<hbm>>
        %dma_wait3A_136 = arith.constant 0 : i32
        %dma_wait3A_137 = arith.constant 0 : i32
        %dma_wait3A_138 = tpu.memref_slice %arg3[%dma_wait3A_136, %dma_wait3A_137] : memref<7680x128xi32, #tpu.memory_space<hbm>> -> memref<24x128xi32, #tpu.memory_space<hbm>>
        tpu.wait_dma2 semaphore(%arg14 : memref<!tpu.dma_semaphore, #tpu.memory_space<semaphore_mem>>) src(%dma_wait3A_138 : memref<24x128xi32, #tpu.memory_space<hbm>>) dst(%arg7 : memref<24x128xi32, #tpu.memory_space<vmem>>)
        %dma_start3A_139 = arith.constant 0 : i32
        %dma_start3A_140 = arith.constant 0 : i32
        %dma_start3A_141 = tpu.memref_slice %arg7[%dma_start3A_139, %dma_start3A_140] : memref<24x128xi32, #tpu.memory_space<vmem>> -> memref<1x128xi32, #tpu.memory_space<vmem>>
        %dma_start3A_142 = tpu.memref_squeeze %dma_start3A_141 : memref<1x128xi32, #tpu.memory_space<vmem>> -> memref<128xi32, #tpu.memory_space<vmem>>
        %dma_start3A_143 = arith.constant 0 : i32
        %dma_start3A_144 = arith.constant 0 : i32
        %dma_start3A_145 = tpu.memref_slice %arg2[%dma_start3A_143, %dma_start3A_144] : memref<30000x128xf32, #tpu.memory_space<hbm>> -> memref<30000x128xf32, #tpu.memory_space<hbm>>
        tpu.enqueue_indirect_dma source(%dma_start3A_145 : memref<30000x128xf32, #tpu.memory_space<hbm>>) target(%arg11 : memref<128x128xf32, #tpu.memory_space<vmem>>) offsets(%dma_start3A_142 : memref<128xi32, #tpu.memory_space<vmem>>) semaphore(%arg16 : memref<!tpu.dma_semaphore, #tpu.memory_space<semaphore_mem>>)
      } else {
      }
      %dma_wait3A_116 = arith.constant 0 : i32
      %dma_wait3A_117 = arith.constant 0 : i32
      %dma_wait3A_118 = tpu.memref_slice %arg7[%dma_wait3A_116, %dma_wait3A_117] : memref<24x128xi32, #tpu.memory_space<vmem>> -> memref<1x128xi32, #tpu.memory_space<vmem>>
      %dma_wait3A_119 = tpu.memref_squeeze %dma_wait3A_118 : memref<1x128xi32, #tpu.memory_space<vmem>> -> memref<128xi32, #tpu.memory_space<vmem>>
      %dma_wait3A_120 = arith.constant 0 : i32
      %dma_wait3A_121 = arith.constant 0 : i32
      %dma_wait3A_122 = tpu.memref_slice %arg2[%dma_wait3A_120, %dma_wait3A_121] : memref<30000x128xf32, #tpu.memory_space<hbm>> -> memref<30000x128xf32, #tpu.memory_space<hbm>>
      tpu.wait_indirect_dma semaphore(%arg17 : memref<!tpu.dma_semaphore, #tpu.memory_space<semaphore_mem>>) src(%dma_wait3A_122 : memref<30000x128xf32, #tpu.memory_space<hbm>>) dst(%arg12 : memref<128x128xf32, #tpu.memory_space<vmem>>)
      %run_scoped3A_123 = arith.constant 23 : i32
      "tpu.region"() ({
        %run_scoped3A_127 = tpu.sem_alloc : memref<!tpu.dma_semaphore, #tpu.memory_space<semaphore_mem>>
        %dma_start3A_128 = arith.constant 0 : i32
        %dma_start3A_129 = tpu.memref_slice %arg10[%run_scoped3A_123, %dma_start3A_128] : memref<24x128xi32, #tpu.memory_space<vmem>> -> memref<1x128xi32, #tpu.memory_space<vmem>>
        %dma_start3A_130 = tpu.memref_squeeze %dma_start3A_129 : memref<1x128xi32, #tpu.memory_space<vmem>> -> memref<128xi32, #tpu.memory_space<vmem>>
        %dma_start3A_131 = arith.constant 0 : i32
        %dma_start3A_132 = arith.constant 0 : i32
        %dma_start3A_133 = tpu.memref_slice %arg13[%dma_start3A_131, %dma_start3A_132] : memref<10112x128xf32, #tpu.memory_space<vmem_shared>> -> memref<10112x128xf32, #tpu.memory_space<vmem_shared>>
        tpu.enqueue_indirect_dma source(%arg12 : memref<128x128xf32, #tpu.memory_space<vmem>>) target(%dma_start3A_133 : memref<10112x128xf32, #tpu.memory_space<vmem_shared>>) offsets(%dma_start3A_130 : memref<128xi32, #tpu.memory_space<vmem>>) semaphore(%run_scoped3A_127 : memref<!tpu.dma_semaphore, #tpu.memory_space<semaphore_mem>>) {add = true}
        %dma_wait3A_134 = arith.constant 0 : i32
        %dma_wait3A_135 = tpu.memref_slice %arg10[%run_scoped3A_123, %dma_wait3A_134] : memref<24x128xi32, #tpu.memory_space<vmem>> -> memref<1x128xi32, #tpu.memory_space<vmem>>
        %dma_wait3A_136 = tpu.memref_squeeze %dma_wait3A_135 : memref<1x128xi32, #tpu.memory_space<vmem>> -> memref<128xi32, #tpu.memory_space<vmem>>
        %dma_wait3A_137 = arith.constant 0 : i32
        %dma_wait3A_138 = arith.constant 0 : i32
        %dma_wait3A_139 = tpu.memref_slice %arg13[%dma_wait3A_137, %dma_wait3A_138] : memref<10112x128xf32, #tpu.memory_space<vmem_shared>> -> memref<10112x128xf32, #tpu.memory_space<vmem_shared>>
        tpu.wait_indirect_dma semaphore(%run_scoped3A_127 : memref<!tpu.dma_semaphore, #tpu.memory_space<semaphore_mem>>) src(%arg12 : memref<128x128xf32, #tpu.memory_space<vmem>>) dst(%dma_wait3A_139 : memref<10112x128xf32, #tpu.memory_space<vmem_shared>>)
        tpu.yield
      }) : () -> ()
      %convert_element_type3A_124 = arith.extui %lt3A_61 : i1 to i32
      %cond3A_125 = arith.constant 0 : i32
      %cond3A_126 = arith.cmpi ne, %convert_element_type3A_124, %cond3A_125 : i32
      scf.if %cond3A_126 {
        %add3A_127 = arith.constant 3 : i32
        %add3A_128 = arith.addi %mul3A_60, %add3A_127 : i32
        %mul3A_129 = arith.constant 24 : i32
        %mul3A_130 = arith.muli %add3A_128, %mul3A_129 : i32
        %add3A_131 = arith.addi %mul3A_2, %mul3A_130 : i32
        %dma_start3A_132 = arith.constant 0 : i32
        %dma_start3A_133 = tpu.memref_slice %arg3[%add3A_131, %dma_start3A_132] : memref<7680x128xi32, #tpu.memory_space<hbm>> -> memref<24x128xi32, #tpu.memory_space<hbm>>
        %dma_start3A_134 = arith.constant 0 : i32
        %dma_start3A_135 = tpu.memref_slice %arg3[%add3A_131, %dma_start3A_134] : memref<7680x128xi32, #tpu.memory_space<hbm>> -> memref<24x128xi32, #tpu.memory_space<hbm>>
        tpu.enqueue_dma source(%dma_start3A_135 : memref<24x128xi32, #tpu.memory_space<hbm>>) target(%arg9 : memref<24x128xi32, #tpu.memory_space<vmem>>) target_semaphore(%arg15 : memref<!tpu.dma_semaphore, #tpu.memory_space<semaphore_mem>>)
        %add3A_136 = arith.constant 3 : i32
        %add3A_137 = arith.addi %mul3A_60, %add3A_136 : i32
        %mul3A_138 = arith.constant 24 : i32
        %mul3A_139 = arith.muli %add3A_137, %mul3A_138 : i32
        %add3A_140 = arith.addi %mul3A_2, %mul3A_139 : i32
        %dma_start3A_141 = arith.constant 0 : i32
        %dma_start3A_142 = tpu.memref_slice %arg4[%add3A_140, %dma_start3A_141] : memref<7680x128xi32, #tpu.memory_space<hbm>> -> memref<24x128xi32, #tpu.memory_space<hbm>>
        %dma_start3A_143 = arith.constant 0 : i32
        %dma_start3A_144 = tpu.memref_slice %arg4[%add3A_140, %dma_start3A_143] : memref<7680x128xi32, #tpu.memory_space<hbm>> -> memref<24x128xi32, #tpu.memory_space<hbm>>
        tpu.enqueue_dma source(%dma_start3A_144 : memref<24x128xi32, #tpu.memory_space<hbm>>) target(%arg10 : memref<24x128xi32, #tpu.memory_space<vmem>>) target_semaphore(%arg15 : memref<!tpu.dma_semaphore, #tpu.memory_space<semaphore_mem>>)
      } else {
      }
    }
    %scan3A_48 = arith.constant 5 : i32
    %barrier3A_49 = arith.constant 0 : index
    tpu.barrier barrier_id(%barrier3A_49)
    %mul3A_50 = arith.constant 632 : i32
    %mul3A_51 = arith.muli %arg1, %mul3A_50 : i32
    %mul3A_52 = arith.constant 632 : i32
    %mul3A_53 = arith.muli %arg1, %mul3A_52 : i32
    "tpu.region"() ({
      %run_scoped3A = tpu.sem_alloc : memref<!tpu.dma_semaphore, #tpu.memory_space<semaphore_mem>>
      %dma_start3A_54 = arith.constant 0 : i32
      %dma_start3A_55 = tpu.memref_slice %arg6[%arg0, %mul3A_53, %dma_start3A_54] : memref<2x10112x128xf32, #tpu.memory_space<hbm>> -> memref<1x632x128xf32, #tpu.memory_space<hbm>>
      %dma_start3A_56 = tpu.memref_squeeze %dma_start3A_55 : memref<1x632x128xf32, #tpu.memory_space<hbm>> -> memref<632x128xf32, #tpu.memory_space<hbm>>
      %dma_start3A_57 = arith.constant 0 : i32
      %dma_start3A_58 = tpu.memref_slice %arg13[%mul3A_51, %dma_start3A_57] : memref<10112x128xf32, #tpu.memory_space<vmem_shared>> -> memref<632x128xf32, #tpu.memory_space<vmem_shared>>
      tpu.enqueue_dma source(%dma_start3A_58 : memref<632x128xf32, #tpu.memory_space<vmem_shared>>) target(%dma_start3A_56 : memref<632x128xf32, #tpu.memory_space<hbm>>) target_semaphore(%run_scoped3A : memref<!tpu.dma_semaphore, #tpu.memory_space<semaphore_mem>>)
      %dma_wait3A_59 = arith.constant 0 : i32
      %dma_wait3A_60 = tpu.memref_slice %arg6[%arg0, %mul3A_53, %dma_wait3A_59] : memref<2x10112x128xf32, #tpu.memory_space<hbm>> -> memref<1x632x128xf32, #tpu.memory_space<hbm>>
      %dma_wait3A_61 = tpu.memref_squeeze %dma_wait3A_60 : memref<1x632x128xf32, #tpu.memory_space<hbm>> -> memref<632x128xf32, #tpu.memory_space<hbm>>
      %dma_wait3A_62 = arith.constant 0 : i32
      %dma_wait3A_63 = tpu.memref_slice %arg13[%mul3A_51, %dma_wait3A_62] : memref<10112x128xf32, #tpu.memory_space<vmem_shared>> -> memref<632x128xf32, #tpu.memory_space<vmem_shared>>
      tpu.wait_dma2 semaphore(%run_scoped3A : memref<!tpu.dma_semaphore, #tpu.memory_space<semaphore_mem>>) src(%dma_wait3A_63 : memref<632x128xf32, #tpu.memory_space<vmem_shared>>) dst(%dma_wait3A_61 : memref<632x128xf32, #tpu.memory_space<hbm>>)
      tpu.yield
    }) : () -> ()
    return
  }
}

module attributes {stable_mosaic.version = 14 : i64} {
  func.func @_prep_body(%arg0: i32, %arg1: memref<1x2x320000xi32, #tpu.memory_space<vmem>>, %arg2: memref<2560x128xi32, #tpu.memory_space<vmem>>, %arg3: memref<2560x128xi32, #tpu.memory_space<vmem>>) attributes {dimension_semantics = [#tpu.dimension_semantics<arbitrary>], iteration_bounds = array<i64: 3>, scalar_prefetch = 0 : i64, scratch_operands = 0 : i64, tpu.core_type = #tpu.core_type<tc>, window_params = [{transform_indices = @transform_0, window_bounds = array<i64: 1, 2, 320000>}, {transform_indices = @transform_1, window_bounds = array<i64: 2560, 128>}, {transform_indices = @transform_2, window_bounds = array<i64: 2560, 128>}]} {
    %iota3A = tpu.iota {dimensions = array<i32: 0>} : vector<64x128xi32>
    %iota3A_0 = tpu.iota {dimensions = array<i32: 1>} : vector<64x128xi32>
    %mul3A = arith.constant 128 : i32
    %mul3A_1 = vector.broadcast %mul3A : i32 to vector<64x128xi32>
    %mul3A_2 = arith.muli %iota3A, %mul3A_1 : vector<64x128xi32>
    %add3A = arith.addi %mul3A_2, %iota3A_0 : vector<64x128xi32>
    %jit3A = arith.constant 30000 : i32
    %eq3A = arith.constant 0 : i32
    %eq3A_3 = arith.cmpi eq, %jit3A, %eq3A : i32
    %jit3A_4 = arith.constant 1 : i32
    %select_n3A = arith.select %eq3A_3, %jit3A_4, %jit3A : i32
    %rem3A = vector.broadcast %select_n3A : i32 to vector<64x128xi32>
    %rem3A_5 = arith.remsi %add3A, %rem3A : vector<64x128xi32>
    %ne3A = arith.constant 0 : i32
    %ne3A_6 = vector.broadcast %ne3A : i32 to vector<64x128xi32>
    %ne3A_7 = arith.cmpi ne, %rem3A_5, %ne3A_6 : vector<64x128xi32>
    %lt3A = arith.constant 0 : i32
    %lt3A_8 = vector.broadcast %lt3A : i32 to vector<64x128xi32>
    %lt3A_9 = arith.cmpi slt, %rem3A_5, %lt3A_8 : vector<64x128xi32>
    %lt3A_10 = arith.constant 0 : i32
    %lt3A_11 = arith.cmpi slt, %select_n3A, %lt3A_10 : i32
    %ne3A_12 = vector.broadcast %lt3A_11 : i1 to vector<64x128xi1>
    %ne3A_13 = vector.broadcast %ne3A_12 : vector<64x128xi1> to vector<64x128xi1>
    %ne3A_14 = arith.xori %lt3A_9, %ne3A_13 : vector<64x128xi1>
    %and3A = arith.andi %ne3A_14, %ne3A_7 : vector<64x128xi1>
    %add3A_15 = vector.broadcast %select_n3A : i32 to vector<64x128xi32>
    %add3A_16 = arith.addi %rem3A_5, %add3A_15 : vector<64x128xi32>
    %select_n3A_17 = arith.select %and3A, %add3A_16, %rem3A_5 : vector<64x128xi1>, vector<64x128xi32>
    %swap3A = arith.constant 2496 : index
    %swap3A_18 = arith.constant 0 : index
    %swap3A_19 = vector.load %arg2[%swap3A, %swap3A_18] : memref<2560x128xi32, #tpu.memory_space<vmem>>, vector<64x128xi32>
    tpu.vector_store %arg2[%swap3A, %swap3A_18], %select_n3A_17 {strides = array<i32>} : memref<2560x128xi32, #tpu.memory_space<vmem>>, vector<64x128xi32>,
    %jit3A_20 = arith.constant 112 : i32
    %eq3A_21 = arith.constant 0 : i32
    %eq3A_22 = arith.cmpi eq, %jit3A_20, %eq3A_21 : i32
    %jit3A_23 = arith.constant 1 : i32
    %select_n3A_24 = arith.select %eq3A_22, %jit3A_23, %jit3A_20 : i32
    %rem3A_25 = vector.broadcast %select_n3A_24 : i32 to vector<64x128xi32>
    %rem3A_26 = arith.remsi %add3A, %rem3A_25 : vector<64x128xi32>
    %ne3A_27 = arith.constant 0 : i32
    %ne3A_28 = vector.broadcast %ne3A_27 : i32 to vector<64x128xi32>
    %ne3A_29 = arith.cmpi ne, %rem3A_26, %ne3A_28 : vector<64x128xi32>
    %lt3A_30 = arith.constant 0 : i32
    %lt3A_31 = vector.broadcast %lt3A_30 : i32 to vector<64x128xi32>
    %lt3A_32 = arith.cmpi slt, %rem3A_26, %lt3A_31 : vector<64x128xi32>
    %lt3A_33 = arith.constant 0 : i32
    %lt3A_34 = arith.cmpi slt, %select_n3A_24, %lt3A_33 : i32
    %ne3A_35 = vector.broadcast %lt3A_34 : i1 to vector<64x128xi1>
    %ne3A_36 = vector.broadcast %ne3A_35 : vector<64x128xi1> to vector<64x128xi1>
    %ne3A_37 = arith.xori %lt3A_32, %ne3A_36 : vector<64x128xi1>
    %and3A_38 = arith.andi %ne3A_37, %ne3A_29 : vector<64x128xi1>
    %add3A_39 = vector.broadcast %select_n3A_24 : i32 to vector<64x128xi32>
    %add3A_40 = arith.addi %rem3A_26, %add3A_39 : vector<64x128xi32>
    %select_n3A_41 = arith.select %and3A_38, %add3A_40, %rem3A_26 : vector<64x128xi1>, vector<64x128xi32>
    %add3A_42 = arith.constant 10000 : i32
    %add3A_43 = vector.broadcast %add3A_42 : i32 to vector<64x128xi32>
    %add3A_44 = arith.addi %add3A_43, %select_n3A_41 : vector<64x128xi32>
    %swap3A_45 = arith.constant 2496 : index
    %swap3A_46 = arith.constant 0 : index
    %swap3A_47 = vector.load %arg3[%swap3A_45, %swap3A_46] : memref<2560x128xi32, #tpu.memory_space<vmem>>, vector<64x128xi32>
    tpu.vector_store %arg3[%swap3A_45, %swap3A_46], %add3A_44 {strides = array<i32>} : memref<2560x128xi32, #tpu.memory_space<vmem>>, vector<64x128xi32>,
    %get3A = arith.constant 0 : index
    %get3A_48 = arith.constant 0 : index
    %get3A_49 = arith.constant 0 : index
    %get3A_50 = vector.load %arg1[%get3A, %get3A_48, %get3A_49] : memref<1x2x320000xi32, #tpu.memory_space<vmem>>, vector<1x1x320000xi32>
    %get3A_51 = vector.shape_cast %get3A_50 : vector<1x1x320000xi32> to vector<320000xi32>
    %reshape3A = vector.shape_cast %get3A_51 : vector<320000xi32> to vector<2500x128xi32>
    %mul3A_52 = arith.constant 10000 : i32
    %mul3A_53 = arith.muli %arg0, %mul3A_52 : i32
    %add3A_54 = vector.broadcast %mul3A_53 : i32 to vector<2500x128xi32>
    %add3A_55 = arith.addi %reshape3A, %add3A_54 : vector<2500x128xi32>
    %swap3A_56 = arith.constant 0 : index
    %swap3A_57 = arith.constant 0 : index
    %swap3A_58 = vector.load %arg2[%swap3A_56, %swap3A_57] : memref<2560x128xi32, #tpu.memory_space<vmem>>, vector<2500x128xi32>
    tpu.vector_store %arg2[%swap3A_56, %swap3A_57], %add3A_55 {strides = array<i32>} : memref<2560x128xi32, #tpu.memory_space<vmem>>, vector<2500x128xi32>,
    %get3A_59 = arith.constant 0 : index
    %get3A_60 = arith.constant 1 : index
    %get3A_61 = arith.constant 0 : index
    %get3A_62 = vector.load %arg1[%get3A_59, %get3A_60, %get3A_61] : memref<1x2x320000xi32, #tpu.memory_space<vmem>>, vector<1x1x320000xi32>
    %get3A_63 = vector.shape_cast %get3A_62 : vector<1x1x320000xi32> to vector<320000xi32>
    %reshape3A_64 = vector.shape_cast %get3A_63 : vector<320000xi32> to vector<2500x128xi32>
    %swap3A_65 = arith.constant 0 : index
    %swap3A_66 = arith.constant 0 : index
    %swap3A_67 = vector.load %arg3[%swap3A_65, %swap3A_66] : memref<2560x128xi32, #tpu.memory_space<vmem>>, vector<2500x128xi32>
    tpu.vector_store %arg3[%swap3A_65, %swap3A_66], %reshape3A_64 {strides = array<i32>} : memref<2560x128xi32, #tpu.memory_space<vmem>>, vector<2500x128xi32>,
    return
  }
  func.func @transform_0(%arg0: i32) -> (i32, i32, i32) {
    %c0_i32 = arith.constant 0 : i32
    %c0_i32_0 = arith.constant 0 : i32
    %c0_i32_1 = arith.constant 0 : i32
    return %arg0, %c0_i32, %c0_i32_0 : i32, i32, i32
  }
  func.func @transform_1(%arg0: i32) -> (i32, i32) {
    %c0_i32 = arith.constant 0 : i32
    %c0_i32_0 = arith.constant 0 : i32
    return %arg0, %c0_i32 : i32, i32
  }
  func.func @transform_2(%arg0: i32) -> (i32, i32) {
    %c0_i32 = arith.constant 0 : i32
    %c0_i32_0 = arith.constant 0 : i32
    return %arg0, %c0_i32 : i32, i32
  }
}

module attributes {stable_mosaic.version = 14 : i64} {
  func.func @_gates0_body(%arg0: i32, %arg1: memref<2000x128xf32, #tpu.memory_space<vmem>>, %arg2: memref<2000x128xf32, #tpu.memory_space<vmem>>, %arg3: memref<2000x128xf32, #tpu.memory_space<vmem>>, %arg4: memref<128x640xf32, #tpu.memory_space<vmem>>, %arg5: memref<128x640xf32, #tpu.memory_space<vmem>>, %arg6: memref<128x640xf32, #tpu.memory_space<vmem>>, %arg7: memref<1x128xf32, #tpu.memory_space<vmem>>, %arg8: memref<128x640xf32, #tpu.memory_space<vmem>>, %arg9: memref<1x640xf32, #tpu.memory_space<vmem>>, %arg10: memref<2000x640xbf16, #tpu.memory_space<vmem>>) attributes {dimension_semantics = [#tpu.dimension_semantics<arbitrary>], iteration_bounds = array<i64: 5>, scalar_prefetch = 0 : i64, scratch_operands = 0 : i64, tpu.core_type = #tpu.core_type<tc>, window_params = [{transform_indices = @transform_0, window_bounds = array<i64: 2000, 128>}, {transform_indices = @transform_1, window_bounds = array<i64: 2000, 128>}, {transform_indices = @transform_2, window_bounds = array<i64: 2000, 128>}, {pipeline_mode = #tpu.pipeline_mode<synchronous>, transform_indices = @transform_3, window_bounds = array<i64: 128, 640>}, {pipeline_mode = #tpu.pipeline_mode<synchronous>, transform_indices = @transform_4, window_bounds = array<i64: 128, 640>}, {pipeline_mode = #tpu.pipeline_mode<synchronous>, transform_indices = @transform_5, window_bounds = array<i64: 128, 640>}, {pipeline_mode = #tpu.pipeline_mode<synchronous>, transform_indices = @transform_6, window_bounds = array<i64: 1, 128>}, {pipeline_mode = #tpu.pipeline_mode<synchronous>, transform_indices = @transform_7, window_bounds = array<i64: 128, 640>}, {pipeline_mode = #tpu.pipeline_mode<synchronous>, transform_indices = @transform_8, window_bounds = array<i64: 1, 640>}, {transform_indices = @transform_9, window_bounds = array<i64: 2000, 640>}]} {
    %get3A = arith.constant 0 : index
    %get3A_0 = arith.constant 0 : index
    %get3A_1 = vector.load %arg7[%get3A, %get3A_0] : memref<1x128xf32, #tpu.memory_space<vmem>>, vector<1x128xf32>
    %get3A_2 = arith.constant 0 : index
    %get3A_3 = arith.constant 0 : index
    %get3A_4 = vector.load %arg8[%get3A_2, %get3A_3] : memref<128x640xf32, #tpu.memory_space<vmem>>, vector<128x640xf32>
    %dot_general3A = arith.constant dense<0.000000e+00> : vector<1x640xf32>
    %dot_general3A_5 = tpu.matmul %get3A_1, %get3A_4, %dot_general3A {dimension_numbers = #tpu.dot_dimension_numbers<[1], [0], [0], [1], [0, 0, 1, 1], [], []>, transpose_lhs_hint = false} : vector<1x128xf32>, vector<128x640xf32>, vector<1x640xf32> -> vector<1x640xf32>
    %get3A_6 = arith.constant 0 : index
    %get3A_7 = arith.constant 0 : index
    %get3A_8 = vector.load %arg2[%get3A_6, %get3A_7] : memref<2000x128xf32, #tpu.memory_space<vmem>>, vector<2000x128xf32>
    %get3A_9 = arith.constant 0 : index
    %get3A_10 = arith.constant 0 : index
    %get3A_11 = vector.load %arg4[%get3A_9, %get3A_10] : memref<128x640xf32, #tpu.memory_space<vmem>>, vector<128x640xf32>
    %dot_general3A_12 = arith.constant dense<0.000000e+00> : vector<2000x640xf32>
    %dot_general3A_13 = tpu.matmul %get3A_8, %get3A_11, %dot_general3A_12 {dimension_numbers = #tpu.dot_dimension_numbers<[1], [0], [0], [1], [0, 0, 1, 1], [], []>, transpose_lhs_hint = false} : vector<2000x128xf32>, vector<128x640xf32>, vector<2000x640xf32> -> vector<2000x640xf32>
    %get3A_14 = arith.constant 0 : index
    %get3A_15 = arith.constant 0 : index
    %get3A_16 = vector.load %arg1[%get3A_14, %get3A_15] : memref<2000x128xf32, #tpu.memory_space<vmem>>, vector<2000x128xf32>
    %get3A_17 = arith.constant 0 : index
    %get3A_18 = arith.constant 0 : index
    %get3A_19 = vector.load %arg6[%get3A_17, %get3A_18] : memref<128x640xf32, #tpu.memory_space<vmem>>, vector<128x640xf32>
    %dot_general3A_20 = arith.constant dense<0.000000e+00> : vector<2000x640xf32>
    %dot_general3A_21 = tpu.matmul %get3A_16, %get3A_19, %dot_general3A_20 {dimension_numbers = #tpu.dot_dimension_numbers<[1], [0], [0], [1], [0, 0, 1, 1], [], []>, transpose_lhs_hint = false} : vector<2000x128xf32>, vector<128x640xf32>, vector<2000x640xf32> -> vector<2000x640xf32>
    %add3A = arith.addf %dot_general3A_13, %dot_general3A_21 : vector<2000x640xf32>
    %get3A_22 = arith.constant 0 : index
    %get3A_23 = arith.constant 0 : index
    %get3A_24 = vector.load %arg3[%get3A_22, %get3A_23] : memref<2000x128xf32, #tpu.memory_space<vmem>>, vector<2000x128xf32>
    %get3A_25 = arith.constant 0 : index
    %get3A_26 = arith.constant 0 : index
    %get3A_27 = vector.load %arg5[%get3A_25, %get3A_26] : memref<128x640xf32, #tpu.memory_space<vmem>>, vector<128x640xf32>
    %dot_general3A_28 = arith.constant dense<0.000000e+00> : vector<2000x640xf32>
    %dot_general3A_29 = tpu.matmul %get3A_24, %get3A_27, %dot_general3A_28 {dimension_numbers = #tpu.dot_dimension_numbers<[1], [0], [0], [1], [0, 0, 1, 1], [], []>, transpose_lhs_hint = false} : vector<2000x128xf32>, vector<128x640xf32>, vector<2000x640xf32> -> vector<2000x640xf32>
    %add3A_30 = arith.addf %add3A, %dot_general3A_29 : vector<2000x640xf32>
    %add3A_31 = vector.broadcast %dot_general3A_5 : vector<1x640xf32> to vector<2000x640xf32>
    %add3A_32 = arith.addf %add3A_30, %add3A_31 : vector<2000x640xf32>
    %get3A_33 = arith.constant 0 : index
    %get3A_34 = arith.constant 0 : index
    %get3A_35 = vector.load %arg9[%get3A_33, %get3A_34] : memref<1x640xf32, #tpu.memory_space<vmem>>, vector<1x640xf32>
    %add3A_36 = vector.broadcast %get3A_35 : vector<1x640xf32> to vector<2000x640xf32>
    %add3A_37 = arith.addf %add3A_32, %add3A_36 : vector<2000x640xf32>
    %convert_element_type3A = arith.truncf %add3A_37 : vector<2000x640xf32> to vector<2000x640xbf16>
    %swap3A = arith.constant 0 : index
    %swap3A_38 = arith.constant 0 : index
    %swap3A_39 = vector.load %arg10[%swap3A, %swap3A_38] : memref<2000x640xbf16, #tpu.memory_space<vmem>>, vector<2000x640xbf16>
    tpu.vector_store %arg10[%swap3A, %swap3A_38], %convert_element_type3A {strides = array<i32>} : memref<2000x640xbf16, #tpu.memory_space<vmem>>, vector<2000x640xbf16>,
    return
  }
  func.func @transform_0(%arg0: i32) -> (i32, i32) {
    %c0_i32 = arith.constant 0 : i32
    %c0_i32_0 = arith.constant 0 : i32
    return %arg0, %c0_i32 : i32, i32
  }
  func.func @transform_1(%arg0: i32) -> (i32, i32) {
    %c0_i32 = arith.constant 0 : i32
    %c0_i32_0 = arith.constant 0 : i32
    return %arg0, %c0_i32 : i32, i32
  }
  func.func @transform_2(%arg0: i32) -> (i32, i32) {
    %c0_i32 = arith.constant 0 : i32
    %c0_i32_0 = arith.constant 0 : i32
    return %arg0, %c0_i32 : i32, i32
  }
  func.func @transform_3(%arg0: i32) -> (i32, i32) {
    %c0_i32 = arith.constant 0 : i32
    %c0_i32_0 = arith.constant 0 : i32
    %c0_i32_1 = arith.constant 0 : i32
    return %c0_i32, %c0_i32_0 : i32, i32
  }
  func.func @transform_4(%arg0: i32) -> (i32, i32) {
    %c0_i32 = arith.constant 0 : i32
    %c0_i32_0 = arith.constant 0 : i32
    %c0_i32_1 = arith.constant 0 : i32
    return %c0_i32, %c0_i32_0 : i32, i32
  }
  func.func @transform_5(%arg0: i32) -> (i32, i32) {
    %c0_i32 = arith.constant 0 : i32
    %c0_i32_0 = arith.constant 0 : i32
    %c0_i32_1 = arith.constant 0 : i32
    return %c0_i32, %c0_i32_0 : i32, i32
  }
  func.func @transform_6(%arg0: i32) -> (i32, i32) {
    %c0_i32 = arith.constant 0 : i32
    %c0_i32_0 = arith.constant 0 : i32
    %c0_i32_1 = arith.constant 0 : i32
    return %c0_i32, %c0_i32_0 : i32, i32
  }
  func.func @transform_7(%arg0: i32) -> (i32, i32) {
    %c0_i32 = arith.constant 0 : i32
    %c0_i32_0 = arith.constant 0 : i32
    %c0_i32_1 = arith.constant 0 : i32
    return %c0_i32, %c0_i32_0 : i32, i32
  }
  func.func @transform_8(%arg0: i32) -> (i32, i32) {
    %c0_i32 = arith.constant 0 : i32
    %c0_i32_0 = arith.constant 0 : i32
    %c0_i32_1 = arith.constant 0 : i32
    return %c0_i32, %c0_i32_0 : i32, i32
  }
  func.func @transform_9(%arg0: i32) -> (i32, i32) {
    %c0_i32 = arith.constant 0 : i32
    %c0_i32_0 = arith.constant 0 : i32
    return %arg0, %c0_i32 : i32, i32
  }
}

module attributes {stable_mosaic.version = 14 : i64} {
  func.func @_support_body(%arg0: i32, %arg1: memref<2000x128xf32, #tpu.memory_space<vmem>>, %arg2: memref<3x128x128xf32, #tpu.memory_space<vmem>>, %arg3: memref<3x1x128xf32, #tpu.memory_space<vmem>>, %arg4: memref<3x2000x128xf32, #tpu.memory_space<vmem>>) attributes {dimension_semantics = [#tpu.dimension_semantics<arbitrary>], iteration_bounds = array<i64: 5>, scalar_prefetch = 0 : i64, scratch_operands = 0 : i64, tpu.core_type = #tpu.core_type<tc>, window_params = [{transform_indices = @transform_0, window_bounds = array<i64: 2000, 128>}, {pipeline_mode = #tpu.pipeline_mode<synchronous>, transform_indices = @transform_1, window_bounds = array<i64: 3, 128, 128>}, {pipeline_mode = #tpu.pipeline_mode<synchronous>, transform_indices = @transform_2, window_bounds = array<i64: 3, 1, 128>}, {transform_indices = @transform_3, window_bounds = array<i64: 3, 2000, 128>}]} {
    %get3A = arith.constant 0 : index
    %get3A_0 = arith.constant 0 : index
    %get3A_1 = vector.load %arg1[%get3A, %get3A_0] : memref<2000x128xf32, #tpu.memory_space<vmem>>, vector<2000x128xf32>
    %get3A_2 = arith.constant 0 : index
    %get3A_3 = arith.constant 0 : index
    %get3A_4 = arith.constant 0 : index
    %get3A_5 = vector.load %arg2[%get3A_2, %get3A_3, %get3A_4] : memref<3x128x128xf32, #tpu.memory_space<vmem>>, vector<1x128x128xf32>
    %get3A_6 = vector.shape_cast %get3A_5 : vector<1x128x128xf32> to vector<128x128xf32>
    %dot_general3A = arith.constant dense<0.000000e+00> : vector<2000x128xf32>
    %dot_general3A_7 = tpu.matmul %get3A_1, %get3A_6, %dot_general3A {dimension_numbers = #tpu.dot_dimension_numbers<[1], [0], [0], [1], [0, 0, 1, 1], [], []>, transpose_lhs_hint = false} : vector<2000x128xf32>, vector<128x128xf32>, vector<2000x128xf32> -> vector<2000x128xf32>
    %get3A_8 = arith.constant 0 : index
    %get3A_9 = arith.constant 0 : index
    %get3A_10 = arith.constant 0 : index
    %get3A_11 = vector.load %arg3[%get3A_8, %get3A_9, %get3A_10] : memref<3x1x128xf32, #tpu.memory_space<vmem>>, vector<1x1x128xf32>
    %get3A_12 = vector.shape_cast %get3A_11 : vector<1x1x128xf32> to vector<128xf32>
    %broadcast_in_dim3A = vector.shape_cast %get3A_12 : vector<128xf32> to vector<1x128xf32>
    %add3A = vector.broadcast %broadcast_in_dim3A : vector<1x128xf32> to vector<2000x128xf32>
    %add3A_13 = arith.addf %dot_general3A_7, %add3A : vector<2000x128xf32>
    %swap3A = arith.constant 0 : index
    %swap3A_14 = arith.constant 0 : index
    %swap3A_15 = arith.constant 0 : index
    %swap3A_16 = vector.load %arg4[%swap3A, %swap3A_14, %swap3A_15] : memref<3x2000x128xf32, #tpu.memory_space<vmem>>, vector<1x2000x128xf32>
    %swap3A_17 = vector.shape_cast %swap3A_16 : vector<1x2000x128xf32> to vector<2000x128xf32>
    %swap3A_18 = vector.shape_cast %add3A_13 : vector<2000x128xf32> to vector<1x2000x128xf32>
    tpu.vector_store %arg4[%swap3A, %swap3A_14, %swap3A_15], %swap3A_18 {strides = array<i32>} : memref<3x2000x128xf32, #tpu.memory_space<vmem>>, vector<1x2000x128xf32>,
    %get3A_19 = arith.constant 1 : index
    %get3A_20 = arith.constant 0 : index
    %get3A_21 = arith.constant 0 : index
    %get3A_22 = vector.load %arg2[%get3A_19, %get3A_20, %get3A_21] : memref<3x128x128xf32, #tpu.memory_space<vmem>>, vector<1x128x128xf32>
    %get3A_23 = vector.shape_cast %get3A_22 : vector<1x128x128xf32> to vector<128x128xf32>
    %dot_general3A_24 = arith.constant dense<0.000000e+00> : vector<2000x128xf32>
    %dot_general3A_25 = tpu.matmul %get3A_1, %get3A_23, %dot_general3A_24 {dimension_numbers = #tpu.dot_dimension_numbers<[1], [0], [0], [1], [0, 0, 1, 1], [], []>, transpose_lhs_hint = false} : vector<2000x128xf32>, vector<128x128xf32>, vector<2000x128xf32> -> vector<2000x128xf32>
    %get3A_26 = arith.constant 1 : index
    %get3A_27 = arith.constant 0 : index
    %get3A_28 = arith.constant 0 : index
    %get3A_29 = vector.load %arg3[%get3A_26, %get3A_27, %get3A_28] : memref<3x1x128xf32, #tpu.memory_space<vmem>>, vector<1x1x128xf32>
    %get3A_30 = vector.shape_cast %get3A_29 : vector<1x1x128xf32> to vector<128xf32>
    %broadcast_in_dim3A_31 = vector.shape_cast %get3A_30 : vector<128xf32> to vector<1x128xf32>
    %add3A_32 = vector.broadcast %broadcast_in_dim3A_31 : vector<1x128xf32> to vector<2000x128xf32>
    %add3A_33 = arith.addf %dot_general3A_25, %add3A_32 : vector<2000x128xf32>
    %swap3A_34 = arith.constant 1 : index
    %swap3A_35 = arith.constant 0 : index
    %swap3A_36 = arith.constant 0 : index
    %swap3A_37 = vector.load %arg4[%swap3A_34, %swap3A_35, %swap3A_36] : memref<3x2000x128xf32, #tpu.memory_space<vmem>>, vector<1x2000x128xf32>
    %swap3A_38 = vector.shape_cast %swap3A_37 : vector<1x2000x128xf32> to vector<2000x128xf32>
    %swap3A_39 = vector.shape_cast %add3A_33 : vector<2000x128xf32> to vector<1x2000x128xf32>
    tpu.vector_store %arg4[%swap3A_34, %swap3A_35, %swap3A_36], %swap3A_39 {strides = array<i32>} : memref<3x2000x128xf32, #tpu.memory_space<vmem>>, vector<1x2000x128xf32>,
    %get3A_40 = arith.constant 2 : index
    %get3A_41 = arith.constant 0 : index
    %get3A_42 = arith.constant 0 : index
    %get3A_43 = vector.load %arg2[%get3A_40, %get3A_41, %get3A_42] : memref<3x128x128xf32, #tpu.memory_space<vmem>>, vector<1x128x128xf32>
    %get3A_44 = vector.shape_cast %get3A_43 : vector<1x128x128xf32> to vector<128x128xf32>
    %dot_general3A_45 = arith.constant dense<0.000000e+00> : vector<2000x128xf32>
    %dot_general3A_46 = tpu.matmul %get3A_1, %get3A_44, %dot_general3A_45 {dimension_numbers = #tpu.dot_dimension_numbers<[1], [0], [0], [1], [0, 0, 1, 1], [], []>, transpose_lhs_hint = false} : vector<2000x128xf32>, vector<128x128xf32>, vector<2000x128xf32> -> vector<2000x128xf32>
    %get3A_47 = arith.constant 2 : index
    %get3A_48 = arith.constant 0 : index
    %get3A_49 = arith.constant 0 : index
    %get3A_50 = vector.load %arg3[%get3A_47, %get3A_48, %get3A_49] : memref<3x1x128xf32, #tpu.memory_space<vmem>>, vector<1x1x128xf32>
    %get3A_51 = vector.shape_cast %get3A_50 : vector<1x1x128xf32> to vector<128xf32>
    %broadcast_in_dim3A_52 = vector.shape_cast %get3A_51 : vector<128xf32> to vector<1x128xf32>
    %add3A_53 = vector.broadcast %broadcast_in_dim3A_52 : vector<1x128xf32> to vector<2000x128xf32>
    %add3A_54 = arith.addf %dot_general3A_46, %add3A_53 : vector<2000x128xf32>
    %swap3A_55 = arith.constant 2 : index
    %swap3A_56 = arith.constant 0 : index
    %swap3A_57 = arith.constant 0 : index
    %swap3A_58 = vector.load %arg4[%swap3A_55, %swap3A_56, %swap3A_57] : memref<3x2000x128xf32, #tpu.memory_space<vmem>>, vector<1x2000x128xf32>
    %swap3A_59 = vector.shape_cast %swap3A_58 : vector<1x2000x128xf32> to vector<2000x128xf32>
    %swap3A_60 = vector.shape_cast %add3A_54 : vector<2000x128xf32> to vector<1x2000x128xf32>
    tpu.vector_store %arg4[%swap3A_55, %swap3A_56, %swap3A_57], %swap3A_60 {strides = array<i32>} : memref<3x2000x128xf32, #tpu.memory_space<vmem>>, vector<1x2000x128xf32>,
    return
  }
  func.func @transform_0(%arg0: i32) -> (i32, i32) {
    %c0_i32 = arith.constant 0 : i32
    %c0_i32_0 = arith.constant 0 : i32
    return %arg0, %c0_i32 : i32, i32
  }
  func.func @transform_1(%arg0: i32) -> (i32, i32, i32) {
    %c0_i32 = arith.constant 0 : i32
    %c0_i32_0 = arith.constant 0 : i32
    %c0_i32_1 = arith.constant 0 : i32
    %c0_i32_2 = arith.constant 0 : i32
    return %c0_i32, %c0_i32_0, %c0_i32_1 : i32, i32, i32
  }
  func.func @transform_2(%arg0: i32) -> (i32, i32, i32) {
    %c0_i32 = arith.constant 0 : i32
    %c0_i32_0 = arith.constant 0 : i32
    %c0_i32_1 = arith.constant 0 : i32
    %c0_i32_2 = arith.constant 0 : i32
    return %c0_i32, %c0_i32_0, %c0_i32_1 : i32, i32, i32
  }
  func.func @transform_3(%arg0: i32) -> (i32, i32, i32) {
    %c0_i32 = arith.constant 0 : i32
    %c0_i32_0 = arith.constant 0 : i32
    %c0_i32_1 = arith.constant 0 : i32
    return %c0_i32, %arg0, %c0_i32_0 : i32, i32, i32
  }
}

module attributes {stable_mosaic.version = 14 : i64} {
  func.func @_gates_body(%arg0: i32, %arg1: memref<2x2000x128xf32, #tpu.memory_space<vmem>>, %arg2: memref<2000x640xbf16, #tpu.memory_space<vmem>>, %arg3: memref<2000x128xf32, #tpu.memory_space<vmem>>, %arg4: memref<2000x128xf32, #tpu.memory_space<vmem>>, %arg5: memref<128x640xf32, #tpu.memory_space<vmem>>, %arg6: memref<2000x128xf32, #tpu.memory_space<vmem>>, %arg7: memref<2000x128xf32, #tpu.memory_space<vmem>>) attributes {dimension_semantics = [#tpu.dimension_semantics<arbitrary>], iteration_bounds = array<i64: 5>, scalar_prefetch = 0 : i64, scratch_operands = 0 : i64, tpu.core_type = #tpu.core_type<tc>, window_params = [{transform_indices = @transform_0, window_bounds = array<i64: 2, 2000, 128>}, {transform_indices = @transform_1, window_bounds = array<i64: 2000, 640>}, {transform_indices = @transform_2, window_bounds = array<i64: 2000, 128>}, {transform_indices = @transform_3, window_bounds = array<i64: 2000, 128>}, {pipeline_mode = #tpu.pipeline_mode<synchronous>, transform_indices = @transform_4, window_bounds = array<i64: 128, 640>}, {transform_indices = @transform_5, window_bounds = array<i64: 2000, 128>}, {transform_indices = @transform_6, window_bounds = array<i64: 2000, 128>}]} {
    %get3A = arith.constant 0 : index
    %get3A_0 = arith.constant 0 : index
    %get3A_1 = arith.constant 0 : index
    %get3A_2 = vector.load %arg1[%get3A, %get3A_0, %get3A_1] : memref<2x2000x128xf32, #tpu.memory_space<vmem>>, vector<1x2000x128xf32>
    %get3A_3 = vector.shape_cast %get3A_2 : vector<1x2000x128xf32> to vector<2000x128xf32>
    %get3A_4 = arith.constant 1 : index
    %get3A_5 = arith.constant 0 : index
    %get3A_6 = arith.constant 0 : index
    %get3A_7 = vector.load %arg1[%get3A_4, %get3A_5, %get3A_6] : memref<2x2000x128xf32, #tpu.memory_space<vmem>>, vector<1x2000x128xf32>
    %get3A_8 = vector.shape_cast %get3A_7 : vector<1x2000x128xf32> to vector<2000x128xf32>
    %add3A = arith.addf %get3A_3, %get3A_8 : vector<2000x128xf32>
    %tanh3A = math.tanh %add3A : vector<2000x128xf32>
    %get3A_9 = arith.constant 0 : index
    %get3A_10 = arith.constant 0 : index
    %get3A_11 = vector.load %arg2[%get3A_9, %get3A_10] : memref<2000x640xbf16, #tpu.memory_space<vmem>>, vector<2000x640xbf16>
    %convert_element_type3A = arith.extf %get3A_11 : vector<2000x640xbf16> to vector<2000x640xf32>
    %get3A_12 = arith.constant 0 : index
    %get3A_13 = arith.constant 0 : index
    %get3A_14 = vector.load %arg5[%get3A_12, %get3A_13] : memref<128x640xf32, #tpu.memory_space<vmem>>, vector<128x640xf32>
    %dot_general3A = arith.constant dense<0.000000e+00> : vector<2000x640xf32>
    %dot_general3A_15 = tpu.matmul %tanh3A, %get3A_14, %dot_general3A {dimension_numbers = #tpu.dot_dimension_numbers<[1], [0], [0], [1], [0, 0, 1, 1], [], []>, transpose_lhs_hint = false} : vector<2000x128xf32>, vector<128x640xf32>, vector<2000x640xf32> -> vector<2000x640xf32>
    %add3A_16 = arith.addf %convert_element_type3A, %dot_general3A_15 : vector<2000x640xf32>
    %slice3A = vector.extract_strided_slice %add3A_16 {offsets = [0, 0], sizes = [2000, 128], strides = [1, 1]} : vector<2000x640xf32> to vector<2000x128xf32>
    %slice3A_17 = vector.extract_strided_slice %add3A_16 {offsets = [0, 128], sizes = [2000, 128], strides = [1, 1]} : vector<2000x640xf32> to vector<2000x128xf32>
    %slice3A_18 = vector.extract_strided_slice %add3A_16 {offsets = [0, 256], sizes = [2000, 128], strides = [1, 1]} : vector<2000x640xf32> to vector<2000x128xf32>
    %slice3A_19 = vector.extract_strided_slice %add3A_16 {offsets = [0, 384], sizes = [2000, 128], strides = [1, 1]} : vector<2000x640xf32> to vector<2000x128xf32>
    %slice3A_20 = vector.extract_strided_slice %add3A_16 {offsets = [0, 512], sizes = [2000, 128], strides = [1, 1]} : vector<2000x640xf32> to vector<2000x128xf32>
    %logistic3A = arith.negf %slice3A_17 : vector<2000x128xf32>
    %logistic3A_21 = math.exp %logistic3A : vector<2000x128xf32>
    %logistic3A_22 = arith.constant 1.000000e+00 : f32
    %logistic3A_23 = vector.broadcast %logistic3A_22 : f32 to vector<2000x128xf32>
    %logistic3A_24 = arith.addf %logistic3A_23, %logistic3A_21 : vector<2000x128xf32>
    %logistic3A_25 = arith.divf %logistic3A_23, %logistic3A_24 : vector<2000x128xf32>
    %get3A_26 = arith.constant 0 : index
    %get3A_27 = arith.constant 0 : index
    %get3A_28 = vector.load %arg3[%get3A_26, %get3A_27] : memref<2000x128xf32, #tpu.memory_space<vmem>>, vector<2000x128xf32>
    %mul3A = arith.mulf %logistic3A_25, %get3A_28 : vector<2000x128xf32>
    %logistic3A_29 = arith.negf %slice3A : vector<2000x128xf32>
    %logistic3A_30 = math.exp %logistic3A_29 : vector<2000x128xf32>
    %logistic3A_31 = arith.constant 1.000000e+00 : f32
    %logistic3A_32 = vector.broadcast %logistic3A_31 : f32 to vector<2000x128xf32>
    %logistic3A_33 = arith.addf %logistic3A_32, %logistic3A_30 : vector<2000x128xf32>
    %logistic3A_34 = arith.divf %logistic3A_32, %logistic3A_33 : vector<2000x128xf32>
    %tanh3A_35 = math.tanh %slice3A_19 : vector<2000x128xf32>
    %mul3A_36 = arith.mulf %logistic3A_34, %tanh3A_35 : vector<2000x128xf32>
    %add3A_37 = arith.addf %mul3A, %mul3A_36 : vector<2000x128xf32>
    %logistic3A_38 = arith.negf %slice3A_20 : vector<2000x128xf32>
    %logistic3A_39 = math.exp %logistic3A_38 : vector<2000x128xf32>
    %logistic3A_40 = arith.constant 1.000000e+00 : f32
    %logistic3A_41 = vector.broadcast %logistic3A_40 : f32 to vector<2000x128xf32>
    %logistic3A_42 = arith.addf %logistic3A_41, %logistic3A_39 : vector<2000x128xf32>
    %logistic3A_43 = arith.divf %logistic3A_41, %logistic3A_42 : vector<2000x128xf32>
    %get3A_44 = arith.constant 0 : index
    %get3A_45 = arith.constant 0 : index
    %get3A_46 = vector.load %arg4[%get3A_44, %get3A_45] : memref<2000x128xf32, #tpu.memory_space<vmem>>, vector<2000x128xf32>
    %mul3A_47 = arith.mulf %logistic3A_43, %get3A_46 : vector<2000x128xf32>
    %add3A_48 = arith.addf %add3A_37, %mul3A_47 : vector<2000x128xf32>
    %swap3A = arith.constant 0 : index
    %swap3A_49 = arith.constant 0 : index
    %swap3A_50 = vector.load %arg7[%swap3A, %swap3A_49] : memref<2000x128xf32, #tpu.memory_space<vmem>>, vector<2000x128xf32>
    tpu.vector_store %arg7[%swap3A, %swap3A_49], %add3A_48 {strides = array<i32>} : memref<2000x128xf32, #tpu.memory_space<vmem>>, vector<2000x128xf32>,
    %logistic3A_51 = arith.negf %slice3A_18 : vector<2000x128xf32>
    %logistic3A_52 = math.exp %logistic3A_51 : vector<2000x128xf32>
    %logistic3A_53 = arith.constant 1.000000e+00 : f32
    %logistic3A_54 = vector.broadcast %logistic3A_53 : f32 to vector<2000x128xf32>
    %logistic3A_55 = arith.addf %logistic3A_54, %logistic3A_52 : vector<2000x128xf32>
    %logistic3A_56 = arith.divf %logistic3A_54, %logistic3A_55 : vector<2000x128xf32>
    %tanh3A_57 = math.tanh %add3A_48 : vector<2000x128xf32>
    %mul3A_58 = arith.mulf %logistic3A_56, %tanh3A_57 : vector<2000x128xf32>
    %swap3A_59 = arith.constant 0 : index
    %swap3A_60 = arith.constant 0 : index
    %swap3A_61 = vector.load %arg6[%swap3A_59, %swap3A_60] : memref<2000x128xf32, #tpu.memory_space<vmem>>, vector<2000x128xf32>
    tpu.vector_store %arg6[%swap3A_59, %swap3A_60], %mul3A_58 {strides = array<i32>} : memref<2000x128xf32, #tpu.memory_space<vmem>>, vector<2000x128xf32>,
    return
  }
  func.func @transform_0(%arg0: i32) -> (i32, i32, i32) {
    %c0_i32 = arith.constant 0 : i32
    %c0_i32_0 = arith.constant 0 : i32
    %c0_i32_1 = arith.constant 0 : i32
    return %c0_i32, %arg0, %c0_i32_0 : i32, i32, i32
  }
  func.func @transform_1(%arg0: i32) -> (i32, i32) {
    %c0_i32 = arith.constant 0 : i32
    %c0_i32_0 = arith.constant 0 : i32
    return %arg0, %c0_i32 : i32, i32
  }
  func.func @transform_2(%arg0: i32) -> (i32, i32) {
    %c0_i32 = arith.constant 0 : i32
    %c0_i32_0 = arith.constant 0 : i32
    return %arg0, %c0_i32 : i32, i32
  }
  func.func @transform_3(%arg0: i32) -> (i32, i32) {
    %c0_i32 = arith.constant 0 : i32
    %c0_i32_0 = arith.constant 0 : i32
    return %arg0, %c0_i32 : i32, i32
  }
  func.func @transform_4(%arg0: i32) -> (i32, i32) {
    %c0_i32 = arith.constant 0 : i32
    %c0_i32_0 = arith.constant 0 : i32
    %c0_i32_1 = arith.constant 0 : i32
    return %c0_i32, %c0_i32_0 : i32, i32
  }
  func.func @transform_5(%arg0: i32) -> (i32, i32) {
    %c0_i32 = arith.constant 0 : i32
    %c0_i32_0 = arith.constant 0 : i32
    return %arg0, %c0_i32 : i32, i32
  }
  func.func @transform_6(%arg0: i32) -> (i32, i32) {
    %c0_i32 = arith.constant 0 : i32
    %c0_i32_0 = arith.constant 0 : i32
    return %arg0, %c0_i32 : i32, i32
  }
}

</mosaic_0001>

<sc_bundles>
// kernel: kernel.7.cloned.1.call-start
scs
__scs_entry_jumppad:
0x0: {  	(pc) =	sbr.rel $0x88, $3  }
0x1: {  	(tag) =	ssettag $0x0;
	lr =	simm.s32 $0x1  }
0x2: {  	[smem:$0x3F93] =	sst lr;
	_ =	strace $0xD0000000  }
0x3: {  	_ = 	snop  }
0x4: {  	_ = 	snop  }
0x5: {  	_ = 	snop  }
0x6: {  	_ = 	snop  }
0x7: {  	_ = 	snop  }
__scs_overlays_trampoline_lowered:
0x8: {  	[smem:$0x3FA2] =	sst s0  }
0x9: {  	[smem:$0x3FA3] =	sst s1  }
0xa: {  	[smem:$0x3FA4] =	sst s2  }
0xb: {  	[smem:$0x3FA5] =	sst s3  }
0xc: {  	[smem:$0x3FA6] =	sst s4  }
0xd: {  	[smem:$0x3FA7] =	sst s5  }
0xe: {  	[smem:$0x3FA8] =	sst s6  }
0xf: {  	[smem:$0x3FA9] =	sst s7  }
0x10: {  	[smem:$0x3FAA] =	sst s8  }
0x11: {  	[smem:$0x3FAB] =	sst s9;
	s0 =	simm.s32 @!p0 $0x0  }
0x12: {  	s1 =	sld [smem:$0x3F91];
	s0 =	simm.s32 @p0 $0x1  }
0x13: {  	[smem:$0x3FAC] =	sst s0;
	s0 =	simm.s32 @!p1 $0x0  }
0x14: {  	s2 =	sld [smem:$0x3F90];
	s0 =	simm.s32 @p1 $0x1  }
0x15: {  	[smem:$0x3FAD] =	sst s0;
	s0 =	simm.s32 @!p2 $0x0  }
0x16: {  	s3 =	sld [smem:$0x3FDB];
	s0 =	simm.s32 @p2 $0x1  }
0x17: {  	s4 =	simm.s32 $0x1BF5;
	[smem:$0x3FAF] =	sst s0  }
0x18: {  	s0 =	sld [smem:$0x3F92];
	_ =	swait.ge [sflag:s4], $0x0  }
0x19: {  	s7 =	sld [smem:$0x3F93]  }
0x1a: {  	s8 =	sadd.s32 $0xFFFFE003, lr  }
0x1b: {  	s9 =	sadd.s32 $0xFFFFFEF7, lr;
	s5 =	simm.s32 $0xFFFFFFFF;
	p2 =	slt.u32 s8, $0xFFFFF086  }
0x1c: {  	p1 =	slt.u32 s9, $0xF7A;
	s5 =	simm.s32 @!p2 $0x0  }
0x1d: {  	s5 =	simm.s32 @p1 $0x1;
	p0 =	seq.s32 s7, s2  }
0x1e: {  	s7 =	smul.u32 @!p0 $0xF7A, s2;
	p2 =	seq.s32 @!p0 s5, $0x0  }
0x1f: {  	s9 =	smul.u32 $0xF7A, s1;
	s8 =	simm.s32 @!p0 $0x1BF5;
	p2 =	por !p2, p0  }
0x20: {  	[sflag:s8] =	ssyncset.s32 @!p0 $0xFFFFF086;
	s6 =	sadd.s32 @!p0 s3, s7;
	s7 =	simm.s32 @!p0 $0x108  }
0x21: {  	s3 =	sadd.s32 s3, s9;
	s6 =	sadd.s32 @!p0 $0x88, s6;
	s7 =	simm.s32 @p2 $0x1082  }
0x22: {  	[simem:s7], [sflag:s8] =	dma.local @!p0 [hbm:s6], $0xF7A  }
0x23: {  	s9 =	sor.u32 $0xD0000000, s2;
	s6 =	simm.s32 $0x108;
	_ =	swait.ge @!p0 [sflag:s8], $0x0  }
0x24: {  	s3 =	sadd.s32 $0x88, s3;
	s6 =	simm.s32 @!p1 $0x1082;
	[sflag:s4] =	ssyncset.s32 $0xFFFFF086  }
0x25: {  	[simem:s6], [sflag:s4] =	dma.local [hbm:s3], $0xF7A  }
0x26: {  	[smem:$0x3F93] =	sst s1;
	(tag) =	ssettag s2;
	_ =	strace s9  }
0x27: {  	s1 =	sld [smem:$0x3FA3]  }
0x28: {  	s2 =	sld [smem:$0x3FA4]  }
0x29: {  	s4 =	sld [smem:$0x3FA6]  }
0x2a: {  	p0 =	seq.s32 s5, $0x0;
	s5 =	sld [smem:$0x3FA7]  }
0x2b: {  	s6 =	sld [smem:$0x3FA8]  }
0x2c: {  	s7 =	sld [smem:$0x3FA9]  }
0x2d: {  	s3 =	simm.s32 $0x108;
	s8 =	sld [smem:$0x3FAA]  }
0x2e: {  	s3 =	simm.s32 @!p0 $0x1082;
	s9 =	sld [smem:$0x3FAB]  }
0x2f: {  	lr =	sadd.s32 s0, s3;
	s0 =	sld [smem:$0x3FA2]  }
0x30: {  	s3 =	sld [smem:$0x3FA5]  }
0x31: {  	[smem:$0x3FAE] =	sst s10  }
0x32: {  	s10 =	sld [smem:$0x3FAC];
	_ =	sdelay $0x3  }
0x33: {  	p0 =	seq.s32 s10, $0x1;
	s10 =	sld [smem:$0x3FAE];
	_ =	sdelay $0x3  }
0x34: {  	[smem:$0x3FAE] =	sst s10  }
0x35: {  	s10 =	sld [smem:$0x3FAD];
	_ =	sdelay $0x3  }
0x36: {  	p1 =	seq.s32 s10, $0x1;
	s10 =	sld [smem:$0x3FAE];
	_ =	sdelay $0x3  }
0x37: {  	[smem:$0x3FAE] =	sst s10  }
0x38: {  	s10 =	sld [smem:$0x3FAF]  }
0x39: {  	_ = 	snop;
	(pc) =	sbr.ind lr, $3  }
0x3a: {  	_ = 	snop  }
0x3b: {  	_ = 	snop  }
0x3c: {  	p2 =	seq.s32 s10, $0x1;
	s10 =	sld [smem:$0x3FAE]  }
0x3d: {  	_ =	shalt  }
0x3e: {  	_ =	shalt  }
0x3f: {  	_ =	shalt  }
0x40: {  	_ =	shalt  }
0x41: {  	_ =	shalt  }
0x42: {  	_ =	shalt  }
0x43: {  	_ =	shalt  }
0x44: {  	_ =	shalt  }
0x45: {  	_ =	shalt  }
0x46: {  	_ =	shalt  }
0x47: {  	_ =	shalt  }
0x48: {  	_ =	shalt  }
0x49: {  	_ =	shalt  }
0x4a: {  	_ =	shalt  }
0x4b: {  	_ =	shalt  }
0x4c: {  	_ =	shalt  }
0x4d: {  	_ =	shalt  }
0x4e: {  	_ =	shalt  }
0x4f: {  	_ =	shalt  }
0x50: {  	_ =	shalt  }
0x51: {  	_ =	shalt  }
0x52: {  	_ =	shalt  }
0x53: {  	_ =	shalt  }
0x54: {  	_ =	shalt  }
0x55: {  	_ =	shalt  }
0x56: {  	_ =	shalt  }
0x57: {  	_ =	shalt  }
0x58: {  	_ =	shalt  }
0x59: {  	_ =	shalt  }
0x5a: {  	_ =	shalt  }
0x5b: {  	_ =	shalt  }
0x5c: {  	_ =	shalt  }
0x5d: {  	_ =	shalt  }
0x5e: {  	_ =	shalt  }
0x5f: {  	_ =	shalt  }
0x60: {  	_ =	shalt  }
0x61: {  	_ =	shalt  }
0x62: {  	_ =	shalt  }
0x63: {  	_ =	shalt  }
0x64: {  	_ =	shalt  }
0x65: {  	_ =	shalt  }
0x66: {  	_ =	shalt  }
0x67: {  	_ =	shalt  }
0x68: {  	_ =	shalt  }
0x69: {  	_ =	shalt  }
0x6a: {  	_ =	shalt  }
0x6b: {  	_ =	shalt  }
0x6c: {  	_ =	shalt  }
0x6d: {  	_ =	shalt  }
0x6e: {  	_ =	shalt  }
0x6f: {  	_ =	shalt  }
0x70: {  	_ =	shalt  }
0x71: {  	_ =	shalt  }
0x72: {  	_ =	shalt  }
0x73: {  	_ =	shalt  }
0x74: {  	_ =	shalt  }
0x75: {  	_ =	shalt  }
0x76: {  	_ =	shalt  }
0x77: {  	_ =	shalt  }
0x78: {  	_ =	shalt  }
0x79: {  	_ =	shalt  }
0x7a: {  	_ =	shalt  }
0x7b: {  	_ =	shalt  }
0x7c: {  	_ =	shalt  }
0x7d: {  	_ =	shalt  }
0x7e: {  	_ =	shalt  }
0x7f: {  	_ =	shalt  }
0x80: {  	_ =	shalt  }
0x81: {  	_ =	shalt  }
0x82: {  	_ =	shalt  }
0x83: {  	_ =	shalt  }
0x84: {  	_ =	shalt  }
0x85: {  	_ =	shalt  }
0x86: {  	_ =	shalt  }
0x87: {  	_ =	shalt  }
.Lfunc_end0:
.L_simem_size_0:
called_computation_lowered:
.L_overlay_start_0:
0x88: {  	s2 =	sld [smem:$0x3FD9]  }
0x89: {  	s3 =	sld [smem:$0x3FFE];
	_ =	sdelay $0x1  }
0x8a: {  	s1 =	srdreg.scid  }
0x8b: {  	s0 =	sand.u32 $0x1, s1  }
0x8c: {  	s14 =	sshll.u32 s0, $0xA;
	s2 =	sadd.s32 s3, s2  }
0x8d: {  	s2 =	sadd.s32 s2, s14  }
0x8e: {  	[smem:$0x3FBA] =	sst s2  }
0x8f: {  	_ = 	snop  }
0x90: {  	s2 =	sld [smem:$0x3FD0];
	_ =	sdelay $0x2  }
0x91: {  	s15 =	simm.s32 $0xA;
	s4 =	simm.s32 $0x10  }
0x92: {  	[smem:s4], [sflag:s15] =	dma.local [hbm:s2], $0x1  }
0x93: {  	_ =	swait.eq [sflag:s15], $0x1  }
0x94: {  	[sflag:s15] =	ssyncset.done $0x0  }
0x95: {  	s16 =	sld [smem:$0x10];
	[sflag:s15] =	ssyncadd.s32 $0xFFFFFFFF  }
0x96: {  	s17 =	sld [smem:$0x11];
	(tm) =	ssettm $0x1  }
0x97: {  	s18 =	sld [smem:$0x3FFB];
	_ =	sdelay $0x3  }
0x98: {  	_ =	strace s18  }
0x99: {  	s4 =	sld [smem:$0x3FFC];
	_ =	sdelay $0x3  }
0x9a: {  	_ =	strace s4  }
0x9b: {  	s4 =	sld [smem:$0x3FFD];
	_ =	sdelay $0x3  }
0x9c: {  	_ =	strace s4  }
0x9d: {  	_ =	strace $0x8FFFFFFF  }
0x9e: {  	s19 =	sld [smem:$0x3FDB];
	_ =	sdelay $0x1  }
0x9f: {  	s5 =	simm.s32 $_scs_section_size  }
0xa0: {  	s6 =	simm.s32 $_size__tile_overlayer_lowered;
	s7 =	simm.s32 $_tile_overlayer_lowered  }
0xa1: {  	s22 =	simm.s32 $0x1BFF;
	s21 =	sshll.u32 s7, $0x1;
	s4 =	sadd.s32 s5, s19  }
0xa2: {  	s8 =	simm.s32 $0x0;
	s20 =	sshll.u32 s6, $0x1;
	s6 =	sadd.s32 s21, s4  }
0xa3: {  	[timem:s8], [sflag:s22] =	dma.local [hbm:s6], s20  }
0xa4: {  	_ =	swait.ge [sflag:s22], s20  }
0xa5: {  	s5 =	ssub.s32 $0x0, s20;
	[sflag:s22] =	ssyncset.done $0x0  }
0xa6: {  	[sflag:s22] =	ssyncadd.s32 s5;
	_ =	sdelay $0x1  }
0xa7: {  	s23 =	simm.s32 $0x1B8B  }
0xa8: {  	_ =	swait.ge [sflag:s23], $0x1  }
0xa9: {  	[sflag:s23] =	ssyncset.done $0x0  }
0xaa: {  	s25 =	simm.s32 $0x1B8E;
	s24 =	sld [smem:$0x3FFE];
	[sflag:s23] =	ssyncadd.s32 $0xFFFFFFFF  }
0xab: {  	s26 =	simm.s32 $execute0_lowered;
	[smem:$0x3FD2] =	sst s25  }
0xac: {  	s6 =	sshll.u32 s26, $0x1;
	_ =	strace $0x80000046;
	[dreg:$0x1] =	wrdreg $0xFFFFFFFF  }
0xad: {  	s28 =	simm.s32 $_size_execute0_lowered;
	s4 =	sadd.s32 s4, s6;
	[dreg:$0x0] =	wrdreg $0x0  }
0xae: {  	s6 =	sshll.u32 s28, $0x1;
	[dreg:$0x2] =	wrdreg s4  }
0xaf: {  	[dreg:$0x3] =	wrdreg s6  }
0xb0: {  	[dreg:$0x4] =	wrdreg $0xC0  }
0xb1: {  	_ =	task [dreg:s8], $0x5FFFF  }
0xb2: {  	[dreg:$0x1] =	wrdreg $0xFFFFFFFF  }
0xb3: {  	[dreg:$0x0] =	wrdreg $0x60  }
0xb4: {  	[dreg:$0x2] =	wrdreg s24  }
0xb5: {  	[dreg:$0x3] =	wrdreg s17  }
0xb6: {  	[dreg:$0x4] =	wrdreg s16  }
0xb7: {  	[dreg:$0x5] =	wrdreg $0xB0000  }
0xb8: {  	[dreg:$0x6] =	wrdreg $0x9  }
0xb9: {  	_ =	task.clear_ibuf [dreg:s8], $0x7FFFF;
	_ =	strace $0x90000046  }
0xba: {  	s29 =	simm.s32 $0x9;
	_ =	strace $0x80000048  }
0xbb: {  	_ =	swait.ge [sflag:s29], $0x1  }
0xbc: {  	[sflag:s29] =	ssyncadd.s32 $0xFFFFFFFF  }
0xbd: {  	_ =	strace $0x90000048  }
0xbe: {  	_ =	sfence  }
0xbf: {  	s30 =	sld [smem:$0x0];
	_ =	sdelay $0x2  }
0xc0: {  	s31 =	sshll.u32 s1, $0xD;
	s1 =	sshrl.u32 s1, $0x2  }
0xc1: {  	s3 =	sand.u32 $0x4000, s31;
	s1 =	sadd.s32 s1, s30  }
0xc2: {  	s0 =	sor.u32 s3, s0;
	s1 =	sshll.u32 s1, $0x11  }
0xc3: {  	s0 =	sor.u32 s1, s0  }
0xc4: {  	s0 =	sadd.s32 $0x8F2B, s0  }
0xc5: {  	[sflag:s0] =	ssyncadd.remote.s32 $0x1  }
0xc6: {  	_ =	sfence.sel $0xFFFF  }
0xc7: {  	[dreg:$0x0] =	wrdreg $0xFFFFFFFF;
	(pc) =	sbr.abs _section_cstart, $3  }
0xc8: {  	[dreg:$0x1] =	wrdreg $0xFFFFFFFF  }
0xc9: {  	_ =	task.clear_ibuf [dreg:s8], $0x2FFFF;
	_ =	strace $0x9FFFFFFF  }
0xca: {  	(tm) =	ssettm $0x7FFFFFFF  }
0xcb: {  	_ =	shalt  }
tec
execute0_lowered:
.L_overlay_start_1:
0x0: {  	(tag) =	ssettag $0x1  }
0x1: {  	s0 =	rddreg [dreg:$0x0]  }
0x2: {  	s2 =	rddreg [dreg:$0x1]  }
0x3: {  	s3 =	rddreg [dreg:$0x2]  }
0x4: {  	s4 =	rddreg [dreg:$0x3]  }
0x5: {  	s13 =	stileid.u32;
	s1 =	srdreg.scid  }
0x6: {  	s5 =	simm.s32 $0x0;
	s28 =	simm.s32 $0x4;
	s29 =	simm.s32 $0xB80  }
0x7: {  	s30 =	simm.s32 $0x1700;
	s31 =	simm.s32 $0x2;
	s7 =	smul.u32 $0x13C00, s13  }
0x8: {  	s1 =	sand.u32 $0x1, s1;
	[smem:$0x7FF] =	sst s5;
	s10 =	smul.u32 $0x4F000, s13  }
0x9: {  	s6 =	sadd.s32 $0x3600, s0;
	s21 =	sshll.u32 s13, $0x6;
	s8 =	smul.u32 $0x13C000, s1  }
0xa: {  	_ =	strace $0x80000047;
	s18 =	sshll.u32 s1, $0x4;
	s1 =	ssub.s32 $0x2, s1  }
0xb: {  	s15 =	sor.u32 $0x1C05, s21;
	s21 =	simm.s32 $0x2400;
	s9 =	sshrl.u32 s7, $0x3  }
0xc: {  	s19 =	sor.u32 s13, s18;
	s20 =	sshrl.u32 s1, $0x1;
	s10 =	sshrl.u32 s10, $0x2  }
0xd: {  	s18 =	simm.s32 $0x5;
	s9 =	sadd.s32 s9, s0;
	s11 =	smul.u32 $0x7800, s19  }
0xe: {  	s7 =	sadd.s32 s7, s8;
	s1 =	ssub.s32 s1, s20;
	s12 =	smul.u32 $0xF0, s19  }
0xf: {  	s10 =	sadd.s32 s10, s4;
	s20 =	simm.s32 $0x1800;
	s7 =	sshrl.u32 s7, $0x3  }
0x10: {  	s9 =	sadd.s32 $0x78A00, s9;
	s26 =	smax.u32 s1, $0x1;
	s10 =	sshrl.u32 s10, $0x3  }
0x11: {  	s1 =	simm.s32 $0x2380;
	s0 =	sadd.s32 s7, s0;
	s7 =	smul.u32 $0xF00, s19  }
0x12: {  	s11 =	sshrl.u32 s11, $0x3;
	[dreg:$0x5] =	wrdreg s9;
	s13 =	sadd.s32 $0x30, s12  }
0x13: {  	s14 =	sadd.s32 $0x48, s12;
	[dreg:$0xb] =	wrdreg s26;
	s26 =	simm.s32 $0x3  }
0x14: {  	s19 =	simm.s32 $0x2F00;
	[dreg:$0xc] =	wrdreg s10;
	s0 =	sadd.s32 $0xA0200, s0  }
0x15: {  	s22 =	sadd.s32 $0x180, s11;
	s23 =	sadd.s32 s2, s7;
	[dreg:$0xa] =	wrdreg s0  }
.Ltmp0:
0x16: {  	s7 =	sadd.s32 s3, s7;
	[dreg:$0x6] =	wrdreg s23;
	(pc) =	sbr.rel .LBB2_1-.Ltmp0, $4  }
0x17: {  	s9 =	simm.s32 $0x0;
	s24 =	sadd.s32 s2, s22;
	[dreg:$0x7] =	wrdreg s7  }
0x18: {  	s25 =	sadd.s32 s3, s22;
	s22 =	simm.s32 $0x1;
	[dreg:$0x8] =	wrdreg s24  }
0x19: {  	s0 =	simm.s32 $0x1780;
	[dreg:$0x9] =	wrdreg s25;
	s23 =	simm.s32 $0x80  }
0x1a: {  	s24 =	simm.s32 $0x3000;
	s25 =	simm.s32 $0x7000;
	s7 =	simm.s32 $0x2F80  }
.LBB2_8:
0x1b: {  	_ =	swait.ge [sflag:s28], $0x4000  }
0x1c: {  	[sflag:s28] =	ssyncset.done $0x0  }
0x1d: {  	[sflag:s28] =	ssyncadd.s32 $0xFFFFC000  }
0x1e: {  	[spmem:s4] =	stream.indirect.scatter.add.f32 [tilespmem:s25], [sflag:$0x5], $0x80, s7, s23, $0xb8;
	[tilespmem:$0x1EC00] =	vst v63  }
0x1f: {  	_ =	swait.ge [sflag:s18], $0x4000  }
0x20: {  	[sflag:s18] =	ssyncset.done $0x0  }
0x21: {  	[sflag:s18] =	ssyncadd.s32 $0xFFFFC000  }
0x22: {  	[bflag:$0x0] =	sbarrier.arrive $0xFFFF  }
0x23: {  	s8 =	rddreg [dreg:$0xa]  }
0x24: {  	s10 =	rddreg [dreg:$0xc]  }
0x25: {  	[hbm:s8], [sflag:s17] =	dma.local [spmem:s10], $0x2780  }
0x26: {  	_ =	swait.ge [sflag:s18], $0x2780  }
0x27: {  	s15 =	smov.u32 s17;
	s9 =	sadd.s32 $0x1, s9;
	s17 =	rddreg [dreg:$0xb]  }
0x28: {  	p0 =	sne.s32 s9, s17  }
.Ltmp1:
0x29: {  	_ = 	snop;
	(pc) =	sbr.rel @!p0 .LBB2_9-.Ltmp1, $3  }
0x2a: {  	_ =	sdelay $0x1  }
0x2b: {  	[sflag:s18] =	ssyncset.done $0x0  }
0x2c: {  	[sflag:s18] =	ssyncadd.s32 $0xFFFFD880  }
.LBB2_1:
0x2d: {  	s8 =	rddreg [dreg:$0x5]  }
0x2e: {  	[spmem:s10], [sflag:s15] =	dma.local [hbm:s8], $0x2780  }
0x2f: {  	_ =	swait.ge [sflag:s18], $0x2780  }
0x30: {  	[sflag:s18] =	ssyncset.done $0x0  }
0x31: {  	s10 =	rddreg [dreg:$0x6];
	[sflag:s18] =	ssyncadd.s32 $0xFFFFD880  }
0x32: {  	[tilespmem:s5], [sflag:$0x1] =	stream.linear.gather [hbm4b:s10+s5], $0xC00, $0x38;
	[tilespmem:$0x1EC00] =	vst v63  }
0x33: {  	s12 =	simm.s32 $0xC00;
	s11 =	rddreg [dreg:$0x7]  }
0x34: {  	[tilespmem:s12], [sflag:$0x1] =	stream.linear.gather [hbm4b:s11+s5], $0xC00, $0x38;
	[tilespmem:$0x1EC00] =	vst v63  }
0x35: {  	s17 =	smov.u32 s15;
	s15 =	rddreg [dreg:$0x8]  }
0x36: {  	[tilespmem:s20], [sflag:$0x2] =	stream.linear.gather [hbm4b:s15+s5], $0xC00, $0x38;
	[tilespmem:$0x1EC00] =	vst v63  }
0x37: {  	s16 =	rddreg [dreg:$0x9]  }
0x38: {  	[tilespmem:s21], [sflag:$0x2] =	stream.linear.gather [hbm4b:s16+s5], $0xC00, $0x38;
	[tilespmem:$0x1EC00] =	vst v63  }
0x39: {  	[bflag:$0x0] =	sbarrier.arrive $0xFFFF  }
0x3a: {  	_ =	swait.ge [sflag:s22], $0xC00  }
0x3b: {  	[sflag:s22] =	ssyncset.done $0x0  }
0x3c: {  	[sflag:s22] =	ssyncadd.s32 $0xFFFFF400  }
0x3d: {  	_ =	swait.ge [sflag:s22], $0xC00  }
0x3e: {  	[sflag:s22] =	ssyncset.done $0x0  }
0x3f: {  	s10 =	simm.s32 $0x0;
	[sflag:s22] =	ssyncadd.s32 $0xFFFFF400  }
0x40: {  	[tilespmem:s24], [sflag:$0x3] =	stream.indirect.gather [hbm4b:s6+s23], $0x80, s5, s23, $0xb8;
	[tilespmem:$0x1EC00] =	vst v63  }
.LBB2_2:
0x41: {  	s11 =	simm.s32 $0x80  }
0x42: {  	[tilespmem:s25], [sflag:$0x4] =	stream.indirect.gather [hbm4b:s6+s23], $0x80, s11, s23, $0xb8;
	[tilespmem:$0x1EC00] =	vst v63  }
0x43: {  	_ =	swait.ge [sflag:s26], $0x4000  }
0x44: {  	[sflag:s26] =	ssyncset.done $0x0  }
0x45: {  	s12 =	simm.s32 $0xC00;
	[sflag:s26] =	ssyncadd.s32 $0xFFFFC000  }
0x46: {  	[spmem:s4] =	stream.indirect.scatter.add.f32 [tilespmem:s24], [sflag:$0x5], $0x80, s12, s23, $0xb8;
	[tilespmem:$0x1EC00] =	vst v63  }
0x47: {  	_ =	swait.ge [sflag:s18], $0x4000  }
0x48: {  	[sflag:s18] =	ssyncset.done $0x0  }
0x49: {  	s15 =	simm.s32 $0x100;
	[sflag:s18] =	ssyncadd.s32 $0xFFFFC000  }
0x4a: {  	[tilespmem:s24], [sflag:$0x3] =	stream.indirect.gather [hbm4b:s6+s23], $0x80, s15, s23, $0xb8;
	[tilespmem:$0x1EC00] =	vst v63  }
0x4b: {  	_ =	swait.ge [sflag:s28], $0x4000  }
0x4c: {  	[sflag:s28] =	ssyncset.done $0x0  }
0x4d: {  	s16 =	simm.s32 $0xC80;
	[sflag:s28] =	ssyncadd.s32 $0xFFFFC000  }
0x4e: {  	[spmem:s4] =	stream.indirect.scatter.add.f32 [tilespmem:s25], [sflag:$0x5], $0x80, s16, s23, $0xb8;
	[tilespmem:$0x1EC00] =	vst v63  }
0x4f: {  	_ =	swait.ge [sflag:s18], $0x4000  }
0x50: {  	s11 =	simm.s32 $0x100;
	s12 =	simm.s32 $0x800;
	[sflag:s18] =	ssyncset.done $0x0  }
.LBB2_3:
0x51: {  	s15 =	sadd.s32 $0x80, s11  }
0x52: {  	[sflag:s18] =	ssyncadd.s32 $0xFFFFC000;
	s16 =	smov.u32 s12;
	s8 =	sadd.s32 $0x400, s12  }
0x53: {  	[tilespmem:s25], [sflag:$0x4] =	stream.indirect.gather [hbm4b:s6+s23], $0x80, s15, s23, $0xb8;
	[tilespmem:$0x1EC00] =	vst v63  }
0x54: {  	p0 =	sne.s32 s12, $0x2800;
	_ =	swait.ge [sflag:s26], $0x4000  }
0x55: {  	[sflag:s26] =	ssyncset.done $0x0  }
0x56: {  	s12 =	sadd.s32 $0xC00, s11;
	[sflag:s26] =	ssyncadd.s32 $0xFFFFC000  }
0x57: {  	[spmem:s4] =	stream.indirect.scatter.add.f32 [tilespmem:s24], [sflag:$0x5], $0x80, s12, s23, $0xb8;
	[tilespmem:$0x1EC00] =	vst v63  }
0x58: {  	_ =	swait.ge [sflag:s18], $0x4000  }
0x59: {  	[sflag:s18] =	ssyncset.done $0x0  }
0x5a: {  	s12 =	sadd.s32 $0x100, s11;
	[sflag:s18] =	ssyncadd.s32 $0xFFFFC000  }
0x5b: {  	[tilespmem:s24], [sflag:$0x3] =	stream.indirect.gather [hbm4b:s6+s23], $0x80, s12, s23, $0xb8;
	[tilespmem:$0x1EC00] =	vst v63  }
0x5c: {  	_ =	swait.ge [sflag:s28], $0x4000  }
.Ltmp2:
0x5d: {  	[sflag:s28] =	ssyncset.done $0x0;
	(pc) =	sbr.rel @p0 .LBB2_3-.Ltmp2, $4  }
0x5e: {  	s11 =	sadd.s32 $0xC80, s11;
	[sflag:s28] =	ssyncadd.s32 $0xFFFFC000  }
0x5f: {  	[spmem:s4] =	stream.indirect.scatter.add.f32 [tilespmem:s25], [sflag:$0x5], $0x80, s11, s23, $0xb8;
	[tilespmem:$0x1EC00] =	vst v63  }
0x60: {  	_ =	swait.ge [sflag:s18], $0x4000  }
0x61: {  	s12 =	smov.u32 s8;
	s11 =	sshra.s32 s16, $0x2;
	[sflag:s18] =	ssyncset.done $0x0  }
0x62: {  	s8 =	sadd.s32 $0x80, s11;
	[sflag:s18] =	ssyncadd.s32 $0xFFFFC000  }
0x63: {  	[tilespmem:s25], [sflag:$0x4] =	stream.indirect.gather [hbm4b:s6+s23], $0x80, s8, s23, $0xb8;
	[tilespmem:$0x1EC00] =	vst v63  }
0x64: {  	_ =	swait.ge [sflag:s26], $0x4000  }
0x65: {  	[sflag:s26] =	ssyncset.done $0x0  }
0x66: {  	s12 =	sadd.s32 $0xC00, s11;
	[sflag:s26] =	ssyncadd.s32 $0xFFFFC000  }
0x67: {  	[spmem:s4] =	stream.indirect.scatter.add.f32 [tilespmem:s24], [sflag:$0x5], $0x80, s12, s23, $0xb8;
	[tilespmem:$0x1EC00] =	vst v63  }
0x68: {  	_ =	swait.ge [sflag:s18], $0x4000  }
0x69: {  	[sflag:s18] =	ssyncset.done $0x0  }
0x6a: {  	s15 =	sadd.s32 $0x100, s11;
	[sflag:s18] =	ssyncadd.s32 $0xFFFFC000  }
0x6b: {  	[tilespmem:s24], [sflag:$0x3] =	stream.indirect.gather [hbm4b:s6+s23], $0x80, s15, s23, $0xb8;
	[tilespmem:$0x1EC00] =	vst v63  }
0x6c: {  	_ =	swait.ge [sflag:s28], $0x4000  }
0x6d: {  	[sflag:s28] =	ssyncset.done $0x0  }
0x6e: {  	s16 =	sadd.s32 $0xC80, s11;
	[sflag:s28] =	ssyncadd.s32 $0xFFFFC000  }
0x6f: {  	[spmem:s4] =	stream.indirect.scatter.add.f32 [tilespmem:s25], [sflag:$0x5], $0x80, s16, s23, $0xb8;
	[tilespmem:$0x1EC00] =	vst v63  }
0x70: {  	_ =	swait.ge [sflag:s18], $0x4000  }
0x71: {  	[sflag:s18] =	ssyncset.done $0x0  }
0x72: {  	[sflag:s18] =	ssyncadd.s32 $0xFFFFC000  }
0x73: {  	[tilespmem:s25], [sflag:$0x4] =	stream.indirect.gather [hbm4b:s6+s23], $0x80, s29, s23, $0xb8;
	[tilespmem:$0x1EC00] =	vst v63  }
0x74: {  	_ =	swait.ge [sflag:s26], $0x4000  }
0x75: {  	[sflag:s26] =	ssyncset.done $0x0  }
0x76: {  	[sflag:s26] =	ssyncadd.s32 $0xFFFFC000  }
0x77: {  	[spmem:s4] =	stream.indirect.scatter.add.f32 [tilespmem:s24], [sflag:$0x5], $0x80, s30, s23, $0xb8;
	[tilespmem:$0x1EC00] =	vst v63  }
0x78: {  	_ =	swait.ge [sflag:s18], $0x4000  }
0x79: {  	[sflag:s18] =	ssyncset.done $0x0  }
0x7a: {  	[sflag:s18] =	ssyncadd.s32 $0xFFFFC000  }
0x7b: {  	_ =	swait.ge [sflag:s31], $0xC00  }
0x7c: {  	[sflag:s31] =	ssyncset.done $0x0  }
0x7d: {  	[sflag:s31] =	ssyncadd.s32 $0xFFFFF400  }
0x7e: {  	_ =	swait.ge [sflag:s31], $0xC00  }
0x7f: {  	[sflag:s31] =	ssyncset.done $0x0  }
0x80: {  	[sflag:s31] =	ssyncadd.s32 $0xFFFFF400  }
0x81: {  	[tilespmem:s24], [sflag:$0x3] =	stream.indirect.gather [hbm4b:s6+s23], $0x80, s20, s23, $0xb8;
	[tilespmem:$0x1EC00] =	vst v63  }
0x82: {  	_ =	swait.ge [sflag:s28], $0x4000  }
0x83: {  	p0 =	seq.s32 s10, $0x4;
	[sflag:s28] =	ssyncset.done $0x0  }
0x84: {  	s8 =	smul.u32 @!p0 $0x30, s10;
	[sflag:s28] =	ssyncadd.s32 $0xFFFFC000  }
0x85: {  	[spmem:s4] =	stream.indirect.scatter.add.f32 [tilespmem:s25], [sflag:$0x5], $0x80, s0, s23, $0xb8;
	[tilespmem:$0x1EC00] =	vst v63  }
0x86: {  	s8 =	sadd.s32 @!p0 s8, s13;
	_ =	swait.ge [sflag:s18], $0x4000  }
0x87: {  	s8 =	sshll.u32 @!p0 s8, $0x4;
	[sflag:s18] =	ssyncset.done $0x0  }
0x88: {  	s11 =	sadd.s32 @!p0 s2, s8;
	s12 =	simm.s32 @!p0 $0x0;
	[sflag:s18] =	ssyncadd.s32 $0xFFFFC000  }
0x89: {  	[tilespmem:s12], [sflag:$0x1] =	stream.linear.gather @!p0 [hbm4b:s11+s12], $0xC00, $0x38;
	[tilespmem:$0x1EC00] =	vst v63  }
0x8a: {  	s8 =	sadd.s32 @!p0 s3, s8;
	s11 =	simm.s32 @!p0 $0xC00  }
0x8b: {  	[tilespmem:s11], [sflag:$0x1] =	stream.linear.gather @!p0 [hbm4b:s8+s12], $0xC00, $0x38;
	[tilespmem:$0x1EC00] =	vst v63  }
0x8c: {  	s11 =	simm.s32 $0x1880  }
0x8d: {  	[tilespmem:s25], [sflag:$0x4] =	stream.indirect.gather [hbm4b:s6+s23], $0x80, s11, s23, $0xb8;
	[tilespmem:$0x1EC00] =	vst v63  }
0x8e: {  	_ =	swait.ge [sflag:s26], $0x4000  }
0x8f: {  	[sflag:s26] =	ssyncset.done $0x0  }
0x90: {  	s12 =	simm.s32 $0x2400;
	[sflag:s26] =	ssyncadd.s32 $0xFFFFC000  }
0x91: {  	[spmem:s4] =	stream.indirect.scatter.add.f32 [tilespmem:s24], [sflag:$0x5], $0x80, s12, s23, $0xb8;
	[tilespmem:$0x1EC00] =	vst v63  }
0x92: {  	_ =	swait.ge [sflag:s18], $0x4000  }
0x93: {  	[sflag:s18] =	ssyncset.done $0x0  }
0x94: {  	s15 =	simm.s32 $0x1900;
	[sflag:s18] =	ssyncadd.s32 $0xFFFFC000  }
0x95: {  	[tilespmem:s24], [sflag:$0x3] =	stream.indirect.gather [hbm4b:s6+s23], $0x80, s15, s23, $0xb8;
	[tilespmem:$0x1EC00] =	vst v63  }
0x96: {  	_ =	swait.ge [sflag:s28], $0x4000  }
0x97: {  	[sflag:s28] =	ssyncset.done $0x0  }
0x98: {  	s16 =	simm.s32 $0x2480;
	[sflag:s28] =	ssyncadd.s32 $0xFFFFC000  }
0x99: {  	[spmem:s4] =	stream.indirect.scatter.add.f32 [tilespmem:s25], [sflag:$0x5], $0x80, s16, s23, $0xb8;
	[tilespmem:$0x1EC00] =	vst v63  }
0x9a: {  	_ =	swait.ge [sflag:s18], $0x4000  }
0x9b: {  	s11 =	simm.s32 $0x100;
	s12 =	simm.s32 $0x800;
	[sflag:s18] =	ssyncset.done $0x0  }
.LBB2_5:
0x9c: {  	s8 =	sadd.s32 $0x1880, s11  }
0x9d: {  	[sflag:s18] =	ssyncadd.s32 $0xFFFFC000;
	s15 =	smov.u32 s12;
	s16 =	sadd.s32 $0x400, s12  }
0x9e: {  	[tilespmem:s25], [sflag:$0x4] =	stream.indirect.gather [hbm4b:s6+s23], $0x80, s8, s23, $0xb8;
	[tilespmem:$0x1EC00] =	vst v63  }
0x9f: {  	p1 =	sne.s32 s12, $0x2800;
	_ =	swait.ge [sflag:s26], $0x4000  }
0xa0: {  	[sflag:s26] =	ssyncset.done $0x0  }
0xa1: {  	s8 =	sadd.s32 $0x2400, s11;
	[sflag:s26] =	ssyncadd.s32 $0xFFFFC000  }
0xa2: {  	[spmem:s4] =	stream.indirect.scatter.add.f32 [tilespmem:s24], [sflag:$0x5], $0x80, s8, s23, $0xb8;
	[tilespmem:$0x1EC00] =	vst v63  }
0xa3: {  	_ =	swait.ge [sflag:s18], $0x4000  }
0xa4: {  	[sflag:s18] =	ssyncset.done $0x0  }
0xa5: {  	s8 =	sadd.s32 $0x1900, s11;
	[sflag:s18] =	ssyncadd.s32 $0xFFFFC000  }
0xa6: {  	[tilespmem:s24], [sflag:$0x3] =	stream.indirect.gather [hbm4b:s6+s23], $0x80, s8, s23, $0xb8;
	[tilespmem:$0x1EC00] =	vst v63  }
0xa7: {  	_ =	swait.ge [sflag:s28], $0x4000  }
.Ltmp3:
0xa8: {  	[sflag:s28] =	ssyncset.done $0x0;
	(pc) =	sbr.rel @p1 .LBB2_5-.Ltmp3, $4  }
0xa9: {  	s8 =	sadd.s32 $0x2480, s11;
	[sflag:s28] =	ssyncadd.s32 $0xFFFFC000  }
0xaa: {  	[spmem:s4] =	stream.indirect.scatter.add.f32 [tilespmem:s25], [sflag:$0x5], $0x80, s8, s23, $0xb8;
	[tilespmem:$0x1EC00] =	vst v63  }
0xab: {  	_ =	swait.ge [sflag:s18], $0x4000  }
0xac: {  	s12 =	smov.u32 s16;
	s11 =	sshra.s32 s15, $0x2;
	[sflag:s18] =	ssyncset.done $0x0  }
0xad: {  	s8 =	sadd.s32 $0x1880, s11;
	[sflag:s18] =	ssyncadd.s32 $0xFFFFC000  }
0xae: {  	[tilespmem:s25], [sflag:$0x4] =	stream.indirect.gather [hbm4b:s6+s23], $0x80, s8, s23, $0xb8;
	[tilespmem:$0x1EC00] =	vst v63  }
0xaf: {  	_ =	swait.ge [sflag:s26], $0x4000  }
0xb0: {  	[sflag:s26] =	ssyncset.done $0x0  }
0xb1: {  	s12 =	sadd.s32 $0x2400, s11;
	[sflag:s26] =	ssyncadd.s32 $0xFFFFC000  }
0xb2: {  	[spmem:s4] =	stream.indirect.scatter.add.f32 [tilespmem:s24], [sflag:$0x5], $0x80, s12, s23, $0xb8;
	[tilespmem:$0x1EC00] =	vst v63  }
0xb3: {  	_ =	swait.ge [sflag:s18], $0x4000  }
0xb4: {  	[sflag:s18] =	ssyncset.done $0x0  }
0xb5: {  	s15 =	sadd.s32 $0x1900, s11;
	[sflag:s18] =	ssyncadd.s32 $0xFFFFC000  }
0xb6: {  	[tilespmem:s24], [sflag:$0x3] =	stream.indirect.gather [hbm4b:s6+s23], $0x80, s15, s23, $0xb8;
	[tilespmem:$0x1EC00] =	vst v63  }
0xb7: {  	_ =	swait.ge [sflag:s28], $0x4000  }
0xb8: {  	[sflag:s28] =	ssyncset.done $0x0  }
0xb9: {  	s16 =	sadd.s32 $0x2480, s11;
	[sflag:s28] =	ssyncadd.s32 $0xFFFFC000  }
0xba: {  	[spmem:s4] =	stream.indirect.scatter.add.f32 [tilespmem:s25], [sflag:$0x5], $0x80, s16, s23, $0xb8;
	[tilespmem:$0x1EC00] =	vst v63  }
0xbb: {  	_ =	swait.ge [sflag:s18], $0x4000  }
0xbc: {  	[sflag:s18] =	ssyncset.done $0x0  }
0xbd: {  	[sflag:s18] =	ssyncadd.s32 $0xFFFFC000  }
0xbe: {  	[tilespmem:s25], [sflag:$0x4] =	stream.indirect.gather [hbm4b:s6+s23], $0x80, s1, s23, $0xb8;
	[tilespmem:$0x1EC00] =	vst v63  }
0xbf: {  	_ =	swait.ge [sflag:s26], $0x4000  }
0xc0: {  	[sflag:s26] =	ssyncset.done $0x0  }
.Ltmp4:
0xc1: {  	[sflag:s26] =	ssyncadd.s32 $0xFFFFC000;
	(pc) =	sbr.rel @p0 .LBB2_8-.Ltmp4, $4  }
0xc2: {  	[spmem:s4] =	stream.indirect.scatter.add.f32 [tilespmem:s24], [sflag:$0x5], $0x80, s19, s23, $0xb8;
	[tilespmem:$0x1EC00] =	vst v63  }
0xc3: {  	_ =	swait.ge [sflag:s18], $0x4000  }
0xc4: {  	[sflag:s18] =	ssyncset.done $0x0  }
0xc5: {  	[sflag:s18] =	ssyncadd.s32 $0xFFFFC000  }
0xc6: {  	_ =	swait.ge [sflag:s22], $0xC00  }
0xc7: {  	[sflag:s22] =	ssyncset.done $0x0  }
0xc8: {  	[sflag:s22] =	ssyncadd.s32 $0xFFFFF400  }
0xc9: {  	_ =	swait.ge [sflag:s22], $0xC00  }
0xca: {  	[sflag:s22] =	ssyncset.done $0x0  }
0xcb: {  	[sflag:s22] =	ssyncadd.s32 $0xFFFFF400  }
0xcc: {  	[tilespmem:s24], [sflag:$0x3] =	stream.indirect.gather [hbm4b:s6+s23], $0x80, s5, s23, $0xb8;
	[tilespmem:$0x1EC00] =	vst v63  }
0xcd: {  	_ =	swait.ge [sflag:s28], $0x4000  }
0xce: {  	[sflag:s28] =	ssyncset.done $0x0  }
0xcf: {  	s8 =	smul.u32 $0x30, s10;
	[sflag:s28] =	ssyncadd.s32 $0xFFFFC000  }
0xd0: {  	[spmem:s4] =	stream.indirect.scatter.add.f32 [tilespmem:s25], [sflag:$0x5], $0x80, s7, s23, $0xb8;
	[tilespmem:$0x1EC00] =	vst v63  }
0xd1: {  	s8 =	sadd.s32 s8, s14;
	_ =	swait.ge [sflag:s18], $0x4000  }
.Ltmp5:
0xd2: {  	s8 =	sshll.u32 s8, $0x4;
	[sflag:s18] =	ssyncset.done $0x0;
	(pc) =	sbr.rel .LBB2_2-.Ltmp5, $4  }
0xd3: {  	s11 =	sadd.s32 s2, s8;
	[sflag:s18] =	ssyncadd.s32 $0xFFFFC000  }
0xd4: {  	[tilespmem:s20], [sflag:$0x2] =	stream.linear.gather [hbm4b:s11+s5], $0xC00, $0x38;
	[tilespmem:$0x1EC00] =	vst v63  }
0xd5: {  	s10 =	sadd.s32 $0x1, s10;
	s8 =	sadd.s32 s3, s8  }
0xd6: {  	[tilespmem:s21], [sflag:$0x2] =	stream.linear.gather [hbm4b:s8+s5], $0xC00, $0x38;
	[tilespmem:$0x1EC00] =	vst v63  }
.LBB2_9:
0xd7: {  	_ =	sfence.sel $0x180000  }
0xd8: {  	[bflag:$0x0] =	sbarrier.arrive $0xFFFF  }
0xd9: {  	_ =	strace $0x90000047  }
0xda: {  	s0 =	stileid.u32;
	[bflag:$0x2] =	sbarrier.arrive $0xFFFF  }
0xdb: {  	p0 =	sne.s32 s0, $0x0;
	s0 =	rddreg [dreg:$0x4]  }
0xdc: {  	s0 =	sadd.s32 @!p0 $0x100000, s0  }
0xdd: {  	[sflag:s0] =	ssyncadd.tile.s32 @!p0 $0x1;
	_ =	shalt  }
.Lfunc_end2:
_tile_overlayer_lowered:
.L_overlay_start_2:
0xde: {  	(tag) =	ssettag $0x2  }
0xdf: {  	s0 =	rddreg [dreg:$0x0];
	s2 =	stileid.u32  }
0xe0: {  	s1 =	rddreg [dreg:$0x1];
	p0 =	sne.s32 s2, $0x0  }
0xe1: {  	s3 =	rddreg [dreg:$0x2];
	[bflag:$0x3] =	sbarrier.arrive $0xFFFF;
	s2 =	simm.s32 @!p0 $0x1C05  }
0xe2: {  	[timem:s3], [sflag:s2] =	dma.local @!p0 [hbm:s0], s1  }
0xe3: {  	s0 =	simm.s32 @!p0 $0x5  }
0xe4: {  	_ =	swait.ge @!p0 [sflag:s0], s1  }
0xe5: {  	s1 =	ssub.s32 @!p0 $0x0, s1;
	[sflag:s0] =	ssyncset.done @!p0 $0x0  }
0xe6: {  	[sflag:s0] =	ssyncadd.s32 @!p0 s1  }
0xe7: {  	[bflag:$0x3] =	sbarrier.arrive $0xFFFF  }
0xe8: {  	_ =	shalt  }

</sc_bundles>
